<compile_context>
chip_gen: v7x
topology: tpu7x:2x2x1
jax: 0.10.2.dev20260603
libtpu: 0.0.44.dev20260713+nightly
codegen_flags: <defaults>
</compile_context>

<pallas_src>
import dataclasses
import functools

import jax
import jax.numpy as jnp
from jax import lax
from jax.experimental import pallas as pl
from jax.experimental.pallas import tpu as pltpu
from jax.experimental.pallas import tpu_sc as plsc

_N = 10000
_D = 128
_NC = 2
_NS = 16
_NW = _NC * _NS
_L = 16
_HALF = 5120
_ACC_ROWS = 5128
_CHUNK = 64
_EW = 10112
_GQ = _EW // _L
_SK = 160


def _sc_params():
    cp = pltpu.CompilerParams()
    if "needs_layout_passes" in pltpu.CompilerParams.__dataclass_fields__:
        cp = dataclasses.replace(cp, needs_layout_passes=False)
    return cp


def _sc_partition(src_st, dst_st):
    mesh = plsc.VectorSubcoreMesh(core_axis_name="c", subcore_axis_name="s")

    @functools.partial(
        pl.kernel,
        mesh=mesh,
        out_type=(
            jax.ShapeDtypeStruct((_NC, _NC, _NS, 2 * _SK, _CHUNK),
                                 jnp.int32),
            jax.ShapeDtypeStruct((_NC, _NC, _NS, 64), jnp.int32),
        ),
        scratch_types=[
            pltpu.VMEM((_GQ // 8, 128), jnp.int32),
            pltpu.VMEM((_GQ // 8, 128), jnp.int32),
            pltpu.VMEM((2 * _SK, _CHUNK), jnp.int32),
            pltpu.VMEM((2 * _SK, _CHUNK), jnp.int32),
            pltpu.VMEM((2, 64), jnp.int32),
        ],
        compiler_params=_sc_params(),
    )
    def part_kernel(src_hbm, dst_hbm, lists_hbm, cnt_hbm,
                    src_v, dst_v, ol0, ol1, cnt_v):
        cid = lax.axis_index("c")
        sid = lax.axis_index("s")
        pltpu.sync_copy(src_hbm.at[cid, sid], src_v)
        pltpu.sync_copy(dst_hbm.at[cid, sid], dst_v)

        lanes = lax.iota(jnp.int32, _L)
        zeros16 = jnp.zeros((_L,), jnp.int32)
        dump16 = jnp.full((_L,), _HALF, jnp.int32)

        def body(g, carry):
            oa, ob = carry
            r = g >> 3
            q = (g & 7) * _L
            s_ = src_v[r, pl.ds(q, _L)]
            d = dst_v[r, pl.ds(q, _L)]
            ma = d < _HALF
            inca = jnp.cumsum(ma.astype(jnp.int32))
            posa = (oa - 1) + inca
            plsc.store_scatter(ol0, [(posa >> 6) * 2, posa & 63],
                               s_, mask=ma)
            plsc.store_scatter(ol0, [(posa >> 6) * 2 + 1, posa & 63],
                               d, mask=ma)
            mb = d >= _HALF
            incb = jnp.cumsum(mb.astype(jnp.int32))
            posb = (ob - 1) + incb
            plsc.store_scatter(ol1, [(posb >> 6) * 2, posb & 63],
                               s_, mask=mb)
            plsc.store_scatter(ol1, [(posb >> 6) * 2 + 1, posb & 63],
                               d - _HALF, mask=mb)
            return (oa + jnp.max(inca), ob + jnp.max(incb))

        oa, ob = lax.fori_loop(0, _GQ, body,
                               (jnp.int32(0), jnp.int32(0)))

        def fill(o, olr):
            pad = (-o) & (_CHUNK - 1)
            for t in range(_CHUNK // _L):
                base = t * _L + lanes
                m = base < pad
                idx = o + base
                plsc.store_scatter(olr, [(idx >> 6) * 2, idx & 63],
                                   zeros16, mask=m)
                plsc.store_scatter(olr, [(idx >> 6) * 2 + 1, idx & 63],
                                   dump16, mask=m)
            return (o + pad) >> 6

        na = fill(oa, ol0)
        nb = fill(ob, ol1)
        na16 = jnp.full((_L,), 1, jnp.int32) * na
        nb16 = jnp.full((_L,), 1, jnp.int32) * nb
        for t in range(64 // _L):
            cnt_v[0, pl.ds(t * _L, _L)] = na16
            cnt_v[1, pl.ds(t * _L, _L)] = nb16

        pltpu.sync_copy(ol0, lists_hbm.at[0, cid, sid])
        pltpu.sync_copy(ol1, lists_hbm.at[1, cid, sid])
        pltpu.sync_copy(cnt_v.at[0], cnt_hbm.at[0, cid, sid])
        pltpu.sync_copy(cnt_v.at[1], cnt_hbm.at[1, cid, sid])

    return part_kernel(src_st, dst_st)


def _sc_aggregate(X, lists, counts, zeros):
    mesh = plsc.VectorSubcoreMesh(core_axis_name="c", subcore_axis_name="s")

    @functools.partial(
        pl.kernel,
        mesh=mesh,
        out_type=jax.ShapeDtypeStruct((_NC * _HALF, _D), jnp.float32),
        scratch_types=[
            pltpu.VMEM((8, _CHUNK), jnp.int32),
            pltpu.VMEM((_CHUNK, _D), jnp.float32),
            pltpu.VMEM_SHARED((_N, _D), jnp.float32),
            pltpu.VMEM_SHARED((_ACC_ROWS, _D), jnp.float32),
        ],
        compiler_params=_sc_params(),
    )
    def agg_kernel(x_hbm, lists_hbm, cnt_hbm, zeros_hbm, out_hbm,
                   slab_v, rows_v, x_sh, acc_sh):
        cid = lax.axis_index("c")
        sid = lax.axis_index("s")

        pltpu.sync_copy(x_hbm.at[pl.ds(sid * 624, 624)],
                        x_sh.at[pl.ds(sid * 624, 624)])
        pltpu.sync_copy(zeros_hbm.at[pl.ds(sid * 320, 320)],
                        acc_sh.at[pl.ds(sid * 320, 320)])

        @pl.when(sid == 0)
        def _():
            pltpu.sync_copy(x_hbm.at[pl.ds(9984, 16)],
                            x_sh.at[pl.ds(9984, 16)])
            pltpu.sync_copy(zeros_hbm.at[pl.ds(5120, 8)],
                            acc_sh.at[pl.ds(5120, 8)])

        plsc.subcore_barrier()

        for csrc in range(_NC):
            pltpu.sync_copy(cnt_hbm.at[cid, csrc, sid], slab_v.at[0])
            n = jnp.max(slab_v[0, pl.ds(0, _L)])

            @pl.loop(0, n)
            def _(j):
                jm = j & 3

                @pl.when(jm == 0)
                def _():
                    pltpu.sync_copy(
                        lists_hbm.at[cid, csrc, sid,
                                     pl.ds((j >> 2) * 8, 8)],
                        slab_v)

                pltpu.sync_copy(x_sh.at[slab_v.at[2 * jm]], rows_v)
                pltpu.sync_copy(rows_v, acc_sh.at[slab_v.at[2 * jm + 1]],
                                add=True)

        plsc.subcore_barrier()
        pltpu.sync_copy(
            acc_sh.at[pl.ds(sid * 320, 320)],
            out_hbm.at[pl.ds(cid * _HALF + sid * 320, 320)])

    return agg_kernel(X, lists, counts, zeros)


def _tc_finish(agg, X, W):
    blk = 1000

    def mm_kernel(a_ref, x_ref, w_ref, o_ref):
        o_ref[...] = jnp.dot(a_ref[...] + x_ref[...], w_ref[...],
                             preferred_element_type=jnp.float32)

    row_spec = pl.BlockSpec((blk, _D), lambda i: (i, 0))
    return pl.pallas_call(
        mm_kernel,
        grid=(_N // blk,),
        in_specs=[row_spec, row_spec,
                  pl.BlockSpec((_D, _D), lambda i: (0, 0))],
        out_specs=row_spec,
        out_shape=jax.ShapeDtypeStruct((_N, _D), jnp.float32),
    )(agg, X, W)


def kernel(X, edge_index, W):
    src = edge_index[0]
    dst = edge_index[1]
    E = src.shape[0]

    e_pad = _NW * _EW
    pad = e_pad - E
    src_p = jnp.concatenate([src, jnp.zeros((pad,), jnp.int32)])
    dst_p = jnp.concatenate([dst, jnp.full((pad,), _N, jnp.int32)])
    src_st = src_p.reshape(_NC, _NS, _GQ // 8, 128)
    dst_st = dst_p.reshape(_NC, _NS, _GQ // 8, 128)
    zeros = jnp.zeros((_ACC_ROWS, _D), jnp.float32)

    lists, counts = _sc_partition(src_st, dst_st)
    agg = _sc_aggregate(X, lists, counts, zeros)
    return _tc_finish(agg, X, W)

# --- scband reference (transcript-rebuilt; emitter-appended) ---
"""Pipeline reference for scband-ginconv-22531398435299 (READ-ONLY COPY).

The authoritative reference and input builder live on the scoring server;
editing this copy changes nothing except your own understanding.
"""

import jax, jax.numpy as jnp
import numpy as np

N = 10000
E = 320000
D_IN = 128
D_OUT = 128


def setup_inputs(seed: int = 0) -> dict:
    key = jax.random.key(seed)
    k1, k2, k3 = jax.random.split(key, 3)
    X = jax.random.normal(k1, (N, D_IN), dtype=jnp.float32)
    edge_index = jax.random.randint(k2, (2, E), 0, N, dtype=jnp.int32)
    stdv = 1.0 / np.sqrt(D_OUT)
    W = jax.random.uniform(k3, (D_IN, D_OUT), dtype=jnp.float32, minval=-stdv, maxval=stdv)
    return {"X": X, "edge_index": edge_index, "W": W}


def reference(X, edge_index, W):
    # GNNA.forward: neighbor aggregation (sum over incoming edges) in CSR form.
    # Here represented as COO edge_index[2, E]: src=row 0, dst=row 1.
    src = edge_index[0]
    dst = edge_index[1]
    msgs = jnp.take(X, src, axis=0)                      # gather  [E, D_IN]
    agg = jax.ops.segment_sum(msgs, dst, num_segments=N)  # scatter-add [N, D_IN]
    agg = agg + X                                         # GIN self term (eps = 0)
    # X_prime = torch.mm(X_agg, weights)
    return jnp.dot(agg, W)

if __name__ == "__main__":
    import jax
    _d = setup_inputs()
    print(jax.jit(kernel)(*tuple(_d.values())))

</pallas_src>

<mosaic_0001>
#map = affine_map<(d0, d1) -> (0, 0, 0, 0)>
#map1 = affine_map<(d0, d1) -> (0, 0, 0, 0, 0)>
module attributes {stable_mosaic.version = 14 : i64} {
  func.func @part_kernel(%arg0: i32, %arg1: i32, %arg2: memref<2x16x79x128xi32, #tpu.memory_space<hbm>>, %arg3: memref<2x16x79x128xi32, #tpu.memory_space<hbm>>, %arg4: memref<2x2x16x320x64xi32, #tpu.memory_space<hbm>>, %arg5: memref<2x2x16x64xi32, #tpu.memory_space<hbm>>, %arg6: memref<79x128xi32, #tpu.memory_space<vmem>>, %arg7: memref<79x128xi32, #tpu.memory_space<vmem>>, %arg8: memref<320x64xi32, #tpu.memory_space<vmem>>, %arg9: memref<320x64xi32, #tpu.memory_space<vmem>>, %arg10: memref<2x64xi32, #tpu.memory_space<vmem>>) attributes {dimension_semantics = [#tpu.dimension_semantics<core_parallel>, #tpu.dimension_semantics<subcore_parallel>], iteration_bounds = array<i64: 2, 16>, scalar_prefetch = 0 : i64, scratch_operands = 5 : i64, tpu.core_type = #tpu.core_type<sc_vector_subcore>, window_params = [{transform_indices = #map}, {transform_indices = #map}, {transform_indices = #map1}, {transform_indices = #map}]} {
    "tpu.region"() ({
      %run_scoped3A_286 = tpu.sem_alloc : memref<!tpu.dma_semaphore, #tpu.memory_space<semaphore_mem>>
      %dma_start3A = arith.constant 0 : i32
      %dma_start3A_287 = arith.constant 0 : i32
      %dma_start3A_288 = tpu.memref_slice %arg2[%arg0, %arg1, %dma_start3A, %dma_start3A_287] : memref<2x16x79x128xi32, #tpu.memory_space<hbm>> -> memref<1x1x79x128xi32, #tpu.memory_space<hbm>>
      %dma_start3A_289 = tpu.memref_squeeze %dma_start3A_288 : memref<1x1x79x128xi32, #tpu.memory_space<hbm>> -> memref<79x128xi32, #tpu.memory_space<hbm>>
      %dma_start3A_290 = arith.constant 0 : i32
      %dma_start3A_291 = arith.constant 0 : i32
      %dma_start3A_292 = tpu.memref_slice %arg2[%arg0, %arg1, %dma_start3A_290, %dma_start3A_291] : memref<2x16x79x128xi32, #tpu.memory_space<hbm>> -> memref<1x1x79x128xi32, #tpu.memory_space<hbm>>
      %dma_start3A_293 = tpu.memref_squeeze %dma_start3A_292 : memref<1x1x79x128xi32, #tpu.memory_space<hbm>> -> memref<79x128xi32, #tpu.memory_space<hbm>>
      tpu.enqueue_dma source(%dma_start3A_293 : memref<79x128xi32, #tpu.memory_space<hbm>>) target(%arg6 : memref<79x128xi32, #tpu.memory_space<vmem>>) target_semaphore(%run_scoped3A_286 : memref<!tpu.dma_semaphore, #tpu.memory_space<semaphore_mem>>)
      %dma_wait3A = arith.constant 0 : i32
      %dma_wait3A_294 = arith.constant 0 : i32
      %dma_wait3A_295 = tpu.memref_slice %arg2[%arg0, %arg1, %dma_wait3A, %dma_wait3A_294] : memref<2x16x79x128xi32, #tpu.memory_space<hbm>> -> memref<1x1x79x128xi32, #tpu.memory_space<hbm>>
      %dma_wait3A_296 = tpu.memref_squeeze %dma_wait3A_295 : memref<1x1x79x128xi32, #tpu.memory_space<hbm>> -> memref<79x128xi32, #tpu.memory_space<hbm>>
      %dma_wait3A_297 = arith.constant 0 : i32
      %dma_wait3A_298 = arith.constant 0 : i32
      %dma_wait3A_299 = tpu.memref_slice %arg2[%arg0, %arg1, %dma_wait3A_297, %dma_wait3A_298] : memref<2x16x79x128xi32, #tpu.memory_space<hbm>> -> memref<1x1x79x128xi32, #tpu.memory_space<hbm>>
      %dma_wait3A_300 = tpu.memref_squeeze %dma_wait3A_299 : memref<1x1x79x128xi32, #tpu.memory_space<hbm>> -> memref<79x128xi32, #tpu.memory_space<hbm>>
      tpu.wait_dma2 semaphore(%run_scoped3A_286 : memref<!tpu.dma_semaphore, #tpu.memory_space<semaphore_mem>>) src(%dma_wait3A_300 : memref<79x128xi32, #tpu.memory_space<hbm>>) dst(%arg6 : memref<79x128xi32, #tpu.memory_space<vmem>>)
      tpu.yield
    }) : () -> ()
    "tpu.region"() ({
      %run_scoped3A_286 = tpu.sem_alloc : memref<!tpu.dma_semaphore, #tpu.memory_space<semaphore_mem>>
      %dma_start3A = arith.constant 0 : i32
      %dma_start3A_287 = arith.constant 0 : i32
      %dma_start3A_288 = tpu.memref_slice %arg3[%arg0, %arg1, %dma_start3A, %dma_start3A_287] : memref<2x16x79x128xi32, #tpu.memory_space<hbm>> -> memref<1x1x79x128xi32, #tpu.memory_space<hbm>>
      %dma_start3A_289 = tpu.memref_squeeze %dma_start3A_288 : memref<1x1x79x128xi32, #tpu.memory_space<hbm>> -> memref<79x128xi32, #tpu.memory_space<hbm>>
      %dma_start3A_290 = arith.constant 0 : i32
      %dma_start3A_291 = arith.constant 0 : i32
      %dma_start3A_292 = tpu.memref_slice %arg3[%arg0, %arg1, %dma_start3A_290, %dma_start3A_291] : memref<2x16x79x128xi32, #tpu.memory_space<hbm>> -> memref<1x1x79x128xi32, #tpu.memory_space<hbm>>
      %dma_start3A_293 = tpu.memref_squeeze %dma_start3A_292 : memref<1x1x79x128xi32, #tpu.memory_space<hbm>> -> memref<79x128xi32, #tpu.memory_space<hbm>>
      tpu.enqueue_dma source(%dma_start3A_293 : memref<79x128xi32, #tpu.memory_space<hbm>>) target(%arg7 : memref<79x128xi32, #tpu.memory_space<vmem>>) target_semaphore(%run_scoped3A_286 : memref<!tpu.dma_semaphore, #tpu.memory_space<semaphore_mem>>)
      %dma_wait3A = arith.constant 0 : i32
      %dma_wait3A_294 = arith.constant 0 : i32
      %dma_wait3A_295 = tpu.memref_slice %arg3[%arg0, %arg1, %dma_wait3A, %dma_wait3A_294] : memref<2x16x79x128xi32, #tpu.memory_space<hbm>> -> memref<1x1x79x128xi32, #tpu.memory_space<hbm>>
      %dma_wait3A_296 = tpu.memref_squeeze %dma_wait3A_295 : memref<1x1x79x128xi32, #tpu.memory_space<hbm>> -> memref<79x128xi32, #tpu.memory_space<hbm>>
      %dma_wait3A_297 = arith.constant 0 : i32
      %dma_wait3A_298 = arith.constant 0 : i32
      %dma_wait3A_299 = tpu.memref_slice %arg3[%arg0, %arg1, %dma_wait3A_297, %dma_wait3A_298] : memref<2x16x79x128xi32, #tpu.memory_space<hbm>> -> memref<1x1x79x128xi32, #tpu.memory_space<hbm>>
      %dma_wait3A_300 = tpu.memref_squeeze %dma_wait3A_299 : memref<1x1x79x128xi32, #tpu.memory_space<hbm>> -> memref<79x128xi32, #tpu.memory_space<hbm>>
      tpu.wait_dma2 semaphore(%run_scoped3A_286 : memref<!tpu.dma_semaphore, #tpu.memory_space<semaphore_mem>>) src(%dma_wait3A_300 : memref<79x128xi32, #tpu.memory_space<hbm>>) dst(%arg7 : memref<79x128xi32, #tpu.memory_space<vmem>>)
      tpu.yield
    }) : () -> ()
    %iota3A = tpu.iota {dimensions = array<i32: 0>} : vector<16xi32>
    %broadcast_in_dim3A = arith.constant 0 : i32
    %broadcast_in_dim3A_0 = vector.broadcast %broadcast_in_dim3A : i32 to vector<16xi32>
    %broadcast_in_dim3A_1 = arith.constant 5120 : i32
    %broadcast_in_dim3A_2 = vector.broadcast %broadcast_in_dim3A_1 : i32 to vector<16xi32>
    %scan3A = arith.constant 0 : i32
    %scan3A_3 = arith.constant 0 : i32
    %scan3A_4 = arith.constant 0 : i32
    %scan3A_5 = arith.constant 632 : i32
    %scan3A_6 = arith.addi %scan3A_4, %scan3A_5 : i32
    %scan3A_7 = arith.constant 1 : i32
    %scan3A_8:2 = scf.for %scan3A_286 = %scan3A_4 to %scan3A_6 step %scan3A_7 iter_args(%scan3A_287 = %scan3A, %scan3A_288 = %scan3A_3) -> (i32, i32)  : i32 {
      %shift_right_arithmetic3A_289 = arith.constant 3 : i32
      %shift_right_arithmetic3A_290 = arith.shrsi %scan3A_286, %shift_right_arithmetic3A_289 : i32
      %and3A_291 = arith.constant 7 : i32
      %and3A_292 = arith.andi %scan3A_286, %and3A_291 : i32
      %mul3A_293 = arith.constant 16 : i32
      %mul3A_294 = arith.muli %and3A_292, %mul3A_293 : i32
      %get3A = arith.index_cast %shift_right_arithmetic3A_290 : i32 to index
      %get3A_295 = arith.index_cast %mul3A_294 : i32 to index
      %get3A_296 = tpu.vector_load %arg6[%get3A, %get3A_295] {strides = array<i32>} : memref<79x128xi32, #tpu.memory_space<vmem>>, vector<16xi32>,
      %get3A_297 = arith.index_cast %shift_right_arithmetic3A_290 : i32 to index
      %get3A_298 = arith.index_cast %mul3A_294 : i32 to index
      %get3A_299 = tpu.vector_load %arg7[%get3A_297, %get3A_298] {strides = array<i32>} : memref<79x128xi32, #tpu.memory_space<vmem>>, vector<16xi32>,
      %lt3A_300 = arith.constant 5120 : i32
      %lt3A_301 = vector.broadcast %lt3A_300 : i32 to vector<16xi32>
      %lt3A_302 = arith.cmpi slt, %get3A_299, %lt3A_301 : vector<16xi32>
      %convert_element_type3A = arith.extui %lt3A_302 : vector<16xi1> to vector<16xi32>
      %cumsum3A = arith.constant true
      %cumsum3A_303 = vector.broadcast %cumsum3A : i1 to vector<16xi1>
      %cumsum3A_304 = tpu.scan <sum>, %convert_element_type3A masked %cumsum3A_303 : vector<16xi32>, vector<16xi1> -> vector<16xi32>
      %sub3A = arith.constant 1 : i32
      %sub3A_305 = arith.subi %scan3A_287, %sub3A : i32
      %add3A_306 = vector.broadcast %sub3A_305 : i32 to vector<16xi32>
      %add3A_307 = arith.addi %add3A_306, %cumsum3A_304 : vector<16xi32>
      %shift_right_arithmetic3A_308 = arith.constant 6 : i32
      %shift_right_arithmetic3A_309 = vector.broadcast %shift_right_arithmetic3A_308 : i32 to vector<16xi32>
      %shift_right_arithmetic3A_310 = arith.shrsi %add3A_307, %shift_right_arithmetic3A_309 : vector<16xi32>
      %mul3A_311 = arith.constant 2 : i32
      %mul3A_312 = vector.broadcast %mul3A_311 : i32 to vector<16xi32>
      %mul3A_313 = arith.muli %shift_right_arithmetic3A_310, %mul3A_312 : vector<16xi32>
      %and3A_314 = arith.constant 63 : i32
      %and3A_315 = vector.broadcast %and3A_314 : i32 to vector<16xi32>
      %and3A_316 = arith.andi %add3A_307, %and3A_315 : vector<16xi32>
      tpu.vector_store_idx %arg8[%mul3A_313, %and3A_316], %get3A_296 masked %lt3A_302 : memref<320x64xi32, #tpu.memory_space<vmem>>[vector<16xi32>, vector<16xi32>], vector<16xi32>, vector<16xi1>
      %shift_right_arithmetic3A_317 = arith.constant 6 : i32
      %shift_right_arithmetic3A_318 = vector.broadcast %shift_right_arithmetic3A_317 : i32 to vector<16xi32>
      %shift_right_arithmetic3A_319 = arith.shrsi %add3A_307, %shift_right_arithmetic3A_318 : vector<16xi32>
      %mul3A_320 = arith.constant 2 : i32
      %mul3A_321 = vector.broadcast %mul3A_320 : i32 to vector<16xi32>
      %mul3A_322 = arith.muli %shift_right_arithmetic3A_319, %mul3A_321 : vector<16xi32>
      %add3A_323 = arith.constant 1 : i32
      %add3A_324 = vector.broadcast %add3A_323 : i32 to vector<16xi32>
      %add3A_325 = arith.addi %mul3A_322, %add3A_324 : vector<16xi32>
      %and3A_326 = arith.constant 63 : i32
      %and3A_327 = vector.broadcast %and3A_326 : i32 to vector<16xi32>
      %and3A_328 = arith.andi %add3A_307, %and3A_327 : vector<16xi32>
      tpu.vector_store_idx %arg8[%add3A_325, %and3A_328], %get3A_299 masked %lt3A_302 : memref<320x64xi32, #tpu.memory_space<vmem>>[vector<16xi32>, vector<16xi32>], vector<16xi32>, vector<16xi1>
      %ge3A = arith.constant 5120 : i32
      %ge3A_329 = vector.broadcast %ge3A : i32 to vector<16xi32>
      %ge3A_330 = arith.cmpi sge, %get3A_299, %ge3A_329 : vector<16xi32>
      %convert_element_type3A_331 = arith.extui %ge3A_330 : vector<16xi1> to vector<16xi32>
      %cumsum3A_332 = arith.constant true
      %cumsum3A_333 = vector.broadcast %cumsum3A_332 : i1 to vector<16xi1>
      %cumsum3A_334 = tpu.scan <sum>, %convert_element_type3A_331 masked %cumsum3A_333 : vector<16xi32>, vector<16xi1> -> vector<16xi32>
      %sub3A_335 = arith.constant 1 : i32
      %sub3A_336 = arith.subi %scan3A_288, %sub3A_335 : i32
      %add3A_337 = vector.broadcast %sub3A_336 : i32 to vector<16xi32>
      %add3A_338 = arith.addi %add3A_337, %cumsum3A_334 : vector<16xi32>
      %shift_right_arithmetic3A_339 = arith.constant 6 : i32
      %shift_right_arithmetic3A_340 = vector.broadcast %shift_right_arithmetic3A_339 : i32 to vector<16xi32>
      %shift_right_arithmetic3A_341 = arith.shrsi %add3A_338, %shift_right_arithmetic3A_340 : vector<16xi32>
      %mul3A_342 = arith.constant 2 : i32
      %mul3A_343 = vector.broadcast %mul3A_342 : i32 to vector<16xi32>
      %mul3A_344 = arith.muli %shift_right_arithmetic3A_341, %mul3A_343 : vector<16xi32>
      %and3A_345 = arith.constant 63 : i32
      %and3A_346 = vector.broadcast %and3A_345 : i32 to vector<16xi32>
      %and3A_347 = arith.andi %add3A_338, %and3A_346 : vector<16xi32>
      tpu.vector_store_idx %arg9[%mul3A_344, %and3A_347], %get3A_296 masked %ge3A_330 : memref<320x64xi32, #tpu.memory_space<vmem>>[vector<16xi32>, vector<16xi32>], vector<16xi32>, vector<16xi1>
      %shift_right_arithmetic3A_348 = arith.constant 6 : i32
      %shift_right_arithmetic3A_349 = vector.broadcast %shift_right_arithmetic3A_348 : i32 to vector<16xi32>
      %shift_right_arithmetic3A_350 = arith.shrsi %add3A_338, %shift_right_arithmetic3A_349 : vector<16xi32>
      %mul3A_351 = arith.constant 2 : i32
      %mul3A_352 = vector.broadcast %mul3A_351 : i32 to vector<16xi32>
      %mul3A_353 = arith.muli %shift_right_arithmetic3A_350, %mul3A_352 : vector<16xi32>
      %add3A_354 = arith.constant 1 : i32
      %add3A_355 = vector.broadcast %add3A_354 : i32 to vector<16xi32>
      %add3A_356 = arith.addi %mul3A_353, %add3A_355 : vector<16xi32>
      %and3A_357 = arith.constant 63 : i32
      %and3A_358 = vector.broadcast %and3A_357 : i32 to vector<16xi32>
      %and3A_359 = arith.andi %add3A_338, %and3A_358 : vector<16xi32>
      %sub3A_360 = arith.constant 5120 : i32
      %sub3A_361 = vector.broadcast %sub3A_360 : i32 to vector<16xi32>
      %sub3A_362 = arith.subi %get3A_299, %sub3A_361 : vector<16xi32>
      tpu.vector_store_idx %arg9[%add3A_356, %and3A_359], %sub3A_362 masked %ge3A_330 : memref<320x64xi32, #tpu.memory_space<vmem>>[vector<16xi32>, vector<16xi32>], vector<16xi32>, vector<16xi1>
      %reduce_max3A = arith.constant true
      %reduce_max3A_363 = vector.broadcast %reduce_max3A : i1 to vector<16xi1>
      %reduce_max3A_364 = arith.constant -2147483648 : i32
      %reduce_max3A_365 = vector.broadcast %reduce_max3A_364 : i32 to vector<16xi32>
      %reduce_max3A_366 = arith.xori %cumsum3A_304, %reduce_max3A_365 : vector<16xi32>
      %reduce_max3A_367 = tpu.scan <max>, %reduce_max3A_366 masked %reduce_max3A_363 : vector<16xi32>, vector<16xi1> -> vector<16xi32>
      %reduce_max3A_368 = arith.xori %reduce_max3A_367, %reduce_max3A_365 : vector<16xi32>
      %reduce_max3A_369 = vector.extract %reduce_max3A_368[15] : i32 from vector<16xi32>
      %add3A_370 = arith.addi %scan3A_287, %reduce_max3A_369 : i32
      %reduce_max3A_371 = arith.constant true
      %reduce_max3A_372 = vector.broadcast %reduce_max3A_371 : i1 to vector<16xi1>
      %reduce_max3A_373 = arith.constant -2147483648 : i32
      %reduce_max3A_374 = vector.broadcast %reduce_max3A_373 : i32 to vector<16xi32>
      %reduce_max3A_375 = arith.xori %cumsum3A_334, %reduce_max3A_374 : vector<16xi32>
      %reduce_max3A_376 = tpu.scan <max>, %reduce_max3A_375 masked %reduce_max3A_372 : vector<16xi32>, vector<16xi1> -> vector<16xi32>
      %reduce_max3A_377 = arith.xori %reduce_max3A_376, %reduce_max3A_374 : vector<16xi32>
      %reduce_max3A_378 = vector.extract %reduce_max3A_377[15] : i32 from vector<16xi32>
      %add3A_379 = arith.addi %scan3A_288, %reduce_max3A_378 : i32
      scf.yield %add3A_370, %add3A_379 : i32, i32
    }
    %scan3A_9 = arith.constant 632 : i32
    %neg3A = arith.constant 0 : i32
    %neg3A_10 = arith.subi %neg3A, %scan3A_8#0 : i32
    %and3A = arith.constant 63 : i32
    %and3A_11 = arith.andi %neg3A_10, %and3A : i32
    %add3A = arith.constant 0 : i32
    %add3A_12 = vector.broadcast %add3A : i32 to vector<16xi32>
    %add3A_13 = arith.addi %add3A_12, %iota3A : vector<16xi32>
    %lt3A = vector.broadcast %and3A_11 : i32 to vector<16xi32>
    %lt3A_14 = arith.cmpi slt, %add3A_13, %lt3A : vector<16xi32>
    %add3A_15 = vector.broadcast %scan3A_8#0 : i32 to vector<16xi32>
    %add3A_16 = arith.addi %add3A_15, %add3A_13 : vector<16xi32>
    %shift_right_arithmetic3A = arith.constant 6 : i32
    %shift_right_arithmetic3A_17 = vector.broadcast %shift_right_arithmetic3A : i32 to vector<16xi32>
    %shift_right_arithmetic3A_18 = arith.shrsi %add3A_16, %shift_right_arithmetic3A_17 : vector<16xi32>
    %mul3A = arith.constant 2 : i32
    %mul3A_19 = vector.broadcast %mul3A : i32 to vector<16xi32>
    %mul3A_20 = arith.muli %shift_right_arithmetic3A_18, %mul3A_19 : vector<16xi32>
    %and3A_21 = arith.constant 63 : i32
    %and3A_22 = vector.broadcast %and3A_21 : i32 to vector<16xi32>
    %and3A_23 = arith.andi %add3A_16, %and3A_22 : vector<16xi32>
    tpu.vector_store_idx %arg8[%mul3A_20, %and3A_23], %broadcast_in_dim3A_0 masked %lt3A_14 : memref<320x64xi32, #tpu.memory_space<vmem>>[vector<16xi32>, vector<16xi32>], vector<16xi32>, vector<16xi1>
    %shift_right_arithmetic3A_24 = arith.constant 6 : i32
    %shift_right_arithmetic3A_25 = vector.broadcast %shift_right_arithmetic3A_24 : i32 to vector<16xi32>
    %shift_right_arithmetic3A_26 = arith.shrsi %add3A_16, %shift_right_arithmetic3A_25 : vector<16xi32>
    %mul3A_27 = arith.constant 2 : i32
    %mul3A_28 = vector.broadcast %mul3A_27 : i32 to vector<16xi32>
    %mul3A_29 = arith.muli %shift_right_arithmetic3A_26, %mul3A_28 : vector<16xi32>
    %add3A_30 = arith.constant 1 : i32
    %add3A_31 = vector.broadcast %add3A_30 : i32 to vector<16xi32>
    %add3A_32 = arith.addi %mul3A_29, %add3A_31 : vector<16xi32>
    %and3A_33 = arith.constant 63 : i32
    %and3A_34 = vector.broadcast %and3A_33 : i32 to vector<16xi32>
    %and3A_35 = arith.andi %add3A_16, %and3A_34 : vector<16xi32>
    tpu.vector_store_idx %arg8[%add3A_32, %and3A_35], %broadcast_in_dim3A_2 masked %lt3A_14 : memref<320x64xi32, #tpu.memory_space<vmem>>[vector<16xi32>, vector<16xi32>], vector<16xi32>, vector<16xi1>
    %add3A_36 = arith.constant 16 : i32
    %add3A_37 = vector.broadcast %add3A_36 : i32 to vector<16xi32>
    %add3A_38 = arith.addi %add3A_37, %iota3A : vector<16xi32>
    %lt3A_39 = vector.broadcast %and3A_11 : i32 to vector<16xi32>
    %lt3A_40 = arith.cmpi slt, %add3A_38, %lt3A_39 : vector<16xi32>
    %add3A_41 = vector.broadcast %scan3A_8#0 : i32 to vector<16xi32>
    %add3A_42 = arith.addi %add3A_41, %add3A_38 : vector<16xi32>
    %shift_right_arithmetic3A_43 = arith.constant 6 : i32
    %shift_right_arithmetic3A_44 = vector.broadcast %shift_right_arithmetic3A_43 : i32 to vector<16xi32>
    %shift_right_arithmetic3A_45 = arith.shrsi %add3A_42, %shift_right_arithmetic3A_44 : vector<16xi32>
    %mul3A_46 = arith.constant 2 : i32
    %mul3A_47 = vector.broadcast %mul3A_46 : i32 to vector<16xi32>
    %mul3A_48 = arith.muli %shift_right_arithmetic3A_45, %mul3A_47 : vector<16xi32>
    %and3A_49 = arith.constant 63 : i32
    %and3A_50 = vector.broadcast %and3A_49 : i32 to vector<16xi32>
    %and3A_51 = arith.andi %add3A_42, %and3A_50 : vector<16xi32>
    tpu.vector_store_idx %arg8[%mul3A_48, %and3A_51], %broadcast_in_dim3A_0 masked %lt3A_40 : memref<320x64xi32, #tpu.memory_space<vmem>>[vector<16xi32>, vector<16xi32>], vector<16xi32>, vector<16xi1>
    %shift_right_arithmetic3A_52 = arith.constant 6 : i32
    %shift_right_arithmetic3A_53 = vector.broadcast %shift_right_arithmetic3A_52 : i32 to vector<16xi32>
    %shift_right_arithmetic3A_54 = arith.shrsi %add3A_42, %shift_right_arithmetic3A_53 : vector<16xi32>
    %mul3A_55 = arith.constant 2 : i32
    %mul3A_56 = vector.broadcast %mul3A_55 : i32 to vector<16xi32>
    %mul3A_57 = arith.muli %shift_right_arithmetic3A_54, %mul3A_56 : vector<16xi32>
    %add3A_58 = arith.constant 1 : i32
    %add3A_59 = vector.broadcast %add3A_58 : i32 to vector<16xi32>
    %add3A_60 = arith.addi %mul3A_57, %add3A_59 : vector<16xi32>
    %and3A_61 = arith.constant 63 : i32
    %and3A_62 = vector.broadcast %and3A_61 : i32 to vector<16xi32>
    %and3A_63 = arith.andi %add3A_42, %and3A_62 : vector<16xi32>
    tpu.vector_store_idx %arg8[%add3A_60, %and3A_63], %broadcast_in_dim3A_2 masked %lt3A_40 : memref<320x64xi32, #tpu.memory_space<vmem>>[vector<16xi32>, vector<16xi32>], vector<16xi32>, vector<16xi1>
    %add3A_64 = arith.constant 32 : i32
    %add3A_65 = vector.broadcast %add3A_64 : i32 to vector<16xi32>
    %add3A_66 = arith.addi %add3A_65, %iota3A : vector<16xi32>
    %lt3A_67 = vector.broadcast %and3A_11 : i32 to vector<16xi32>
    %lt3A_68 = arith.cmpi slt, %add3A_66, %lt3A_67 : vector<16xi32>
    %add3A_69 = vector.broadcast %scan3A_8#0 : i32 to vector<16xi32>
    %add3A_70 = arith.addi %add3A_69, %add3A_66 : vector<16xi32>
    %shift_right_arithmetic3A_71 = arith.constant 6 : i32
    %shift_right_arithmetic3A_72 = vector.broadcast %shift_right_arithmetic3A_71 : i32 to vector<16xi32>
    %shift_right_arithmetic3A_73 = arith.shrsi %add3A_70, %shift_right_arithmetic3A_72 : vector<16xi32>
    %mul3A_74 = arith.constant 2 : i32
    %mul3A_75 = vector.broadcast %mul3A_74 : i32 to vector<16xi32>
    %mul3A_76 = arith.muli %shift_right_arithmetic3A_73, %mul3A_75 : vector<16xi32>
    %and3A_77 = arith.constant 63 : i32
    %and3A_78 = vector.broadcast %and3A_77 : i32 to vector<16xi32>
    %and3A_79 = arith.andi %add3A_70, %and3A_78 : vector<16xi32>
    tpu.vector_store_idx %arg8[%mul3A_76, %and3A_79], %broadcast_in_dim3A_0 masked %lt3A_68 : memref<320x64xi32, #tpu.memory_space<vmem>>[vector<16xi32>, vector<16xi32>], vector<16xi32>, vector<16xi1>
    %shift_right_arithmetic3A_80 = arith.constant 6 : i32
    %shift_right_arithmetic3A_81 = vector.broadcast %shift_right_arithmetic3A_80 : i32 to vector<16xi32>
    %shift_right_arithmetic3A_82 = arith.shrsi %add3A_70, %shift_right_arithmetic3A_81 : vector<16xi32>
    %mul3A_83 = arith.constant 2 : i32
    %mul3A_84 = vector.broadcast %mul3A_83 : i32 to vector<16xi32>
    %mul3A_85 = arith.muli %shift_right_arithmetic3A_82, %mul3A_84 : vector<16xi32>
    %add3A_86 = arith.constant 1 : i32
    %add3A_87 = vector.broadcast %add3A_86 : i32 to vector<16xi32>
    %add3A_88 = arith.addi %mul3A_85, %add3A_87 : vector<16xi32>
    %and3A_89 = arith.constant 63 : i32
    %and3A_90 = vector.broadcast %and3A_89 : i32 to vector<16xi32>
    %and3A_91 = arith.andi %add3A_70, %and3A_90 : vector<16xi32>
    tpu.vector_store_idx %arg8[%add3A_88, %and3A_91], %broadcast_in_dim3A_2 masked %lt3A_68 : memref<320x64xi32, #tpu.memory_space<vmem>>[vector<16xi32>, vector<16xi32>], vector<16xi32>, vector<16xi1>
    %add3A_92 = arith.constant 48 : i32
    %add3A_93 = vector.broadcast %add3A_92 : i32 to vector<16xi32>
    %add3A_94 = arith.addi %add3A_93, %iota3A : vector<16xi32>
    %lt3A_95 = vector.broadcast %and3A_11 : i32 to vector<16xi32>
    %lt3A_96 = arith.cmpi slt, %add3A_94, %lt3A_95 : vector<16xi32>
    %add3A_97 = vector.broadcast %scan3A_8#0 : i32 to vector<16xi32>
    %add3A_98 = arith.addi %add3A_97, %add3A_94 : vector<16xi32>
    %shift_right_arithmetic3A_99 = arith.constant 6 : i32
    %shift_right_arithmetic3A_100 = vector.broadcast %shift_right_arithmetic3A_99 : i32 to vector<16xi32>
    %shift_right_arithmetic3A_101 = arith.shrsi %add3A_98, %shift_right_arithmetic3A_100 : vector<16xi32>
    %mul3A_102 = arith.constant 2 : i32
    %mul3A_103 = vector.broadcast %mul3A_102 : i32 to vector<16xi32>
    %mul3A_104 = arith.muli %shift_right_arithmetic3A_101, %mul3A_103 : vector<16xi32>
    %and3A_105 = arith.constant 63 : i32
    %and3A_106 = vector.broadcast %and3A_105 : i32 to vector<16xi32>
    %and3A_107 = arith.andi %add3A_98, %and3A_106 : vector<16xi32>
    tpu.vector_store_idx %arg8[%mul3A_104, %and3A_107], %broadcast_in_dim3A_0 masked %lt3A_96 : memref<320x64xi32, #tpu.memory_space<vmem>>[vector<16xi32>, vector<16xi32>], vector<16xi32>, vector<16xi1>
    %shift_right_arithmetic3A_108 = arith.constant 6 : i32
    %shift_right_arithmetic3A_109 = vector.broadcast %shift_right_arithmetic3A_108 : i32 to vector<16xi32>
    %shift_right_arithmetic3A_110 = arith.shrsi %add3A_98, %shift_right_arithmetic3A_109 : vector<16xi32>
    %mul3A_111 = arith.constant 2 : i32
    %mul3A_112 = vector.broadcast %mul3A_111 : i32 to vector<16xi32>
    %mul3A_113 = arith.muli %shift_right_arithmetic3A_110, %mul3A_112 : vector<16xi32>
    %add3A_114 = arith.constant 1 : i32
    %add3A_115 = vector.broadcast %add3A_114 : i32 to vector<16xi32>
    %add3A_116 = arith.addi %mul3A_113, %add3A_115 : vector<16xi32>
    %and3A_117 = arith.constant 63 : i32
    %and3A_118 = vector.broadcast %and3A_117 : i32 to vector<16xi32>
    %and3A_119 = arith.andi %add3A_98, %and3A_118 : vector<16xi32>
    tpu.vector_store_idx %arg8[%add3A_116, %and3A_119], %broadcast_in_dim3A_2 masked %lt3A_96 : memref<320x64xi32, #tpu.memory_space<vmem>>[vector<16xi32>, vector<16xi32>], vector<16xi32>, vector<16xi1>
    %add3A_120 = arith.addi %scan3A_8#0, %and3A_11 : i32
    %shift_right_arithmetic3A_121 = arith.constant 6 : i32
    %shift_right_arithmetic3A_122 = arith.shrsi %add3A_120, %shift_right_arithmetic3A_121 : i32
    %neg3A_123 = arith.constant 0 : i32
    %neg3A_124 = arith.subi %neg3A_123, %scan3A_8#1 : i32
    %and3A_125 = arith.constant 63 : i32
    %and3A_126 = arith.andi %neg3A_124, %and3A_125 : i32
    %add3A_127 = arith.constant 0 : i32
    %add3A_128 = vector.broadcast %add3A_127 : i32 to vector<16xi32>
    %add3A_129 = arith.addi %add3A_128, %iota3A : vector<16xi32>
    %lt3A_130 = vector.broadcast %and3A_126 : i32 to vector<16xi32>
    %lt3A_131 = arith.cmpi slt, %add3A_129, %lt3A_130 : vector<16xi32>
    %add3A_132 = vector.broadcast %scan3A_8#1 : i32 to vector<16xi32>
    %add3A_133 = arith.addi %add3A_132, %add3A_129 : vector<16xi32>
    %shift_right_arithmetic3A_134 = arith.constant 6 : i32
    %shift_right_arithmetic3A_135 = vector.broadcast %shift_right_arithmetic3A_134 : i32 to vector<16xi32>
    %shift_right_arithmetic3A_136 = arith.shrsi %add3A_133, %shift_right_arithmetic3A_135 : vector<16xi32>
    %mul3A_137 = arith.constant 2 : i32
    %mul3A_138 = vector.broadcast %mul3A_137 : i32 to vector<16xi32>
    %mul3A_139 = arith.muli %shift_right_arithmetic3A_136, %mul3A_138 : vector<16xi32>
    %and3A_140 = arith.constant 63 : i32
    %and3A_141 = vector.broadcast %and3A_140 : i32 to vector<16xi32>
    %and3A_142 = arith.andi %add3A_133, %and3A_141 : vector<16xi32>
    tpu.vector_store_idx %arg9[%mul3A_139, %and3A_142], %broadcast_in_dim3A_0 masked %lt3A_131 : memref<320x64xi32, #tpu.memory_space<vmem>>[vector<16xi32>, vector<16xi32>], vector<16xi32>, vector<16xi1>
    %shift_right_arithmetic3A_143 = arith.constant 6 : i32
    %shift_right_arithmetic3A_144 = vector.broadcast %shift_right_arithmetic3A_143 : i32 to vector<16xi32>
    %shift_right_arithmetic3A_145 = arith.shrsi %add3A_133, %shift_right_arithmetic3A_144 : vector<16xi32>
    %mul3A_146 = arith.constant 2 : i32
    %mul3A_147 = vector.broadcast %mul3A_146 : i32 to vector<16xi32>
    %mul3A_148 = arith.muli %shift_right_arithmetic3A_145, %mul3A_147 : vector<16xi32>
    %add3A_149 = arith.constant 1 : i32
    %add3A_150 = vector.broadcast %add3A_149 : i32 to vector<16xi32>
    %add3A_151 = arith.addi %mul3A_148, %add3A_150 : vector<16xi32>
    %and3A_152 = arith.constant 63 : i32
    %and3A_153 = vector.broadcast %and3A_152 : i32 to vector<16xi32>
    %and3A_154 = arith.andi %add3A_133, %and3A_153 : vector<16xi32>
    tpu.vector_store_idx %arg9[%add3A_151, %and3A_154], %broadcast_in_dim3A_2 masked %lt3A_131 : memref<320x64xi32, #tpu.memory_space<vmem>>[vector<16xi32>, vector<16xi32>], vector<16xi32>, vector<16xi1>
    %add3A_155 = arith.constant 16 : i32
    %add3A_156 = vector.broadcast %add3A_155 : i32 to vector<16xi32>
    %add3A_157 = arith.addi %add3A_156, %iota3A : vector<16xi32>
    %lt3A_158 = vector.broadcast %and3A_126 : i32 to vector<16xi32>
    %lt3A_159 = arith.cmpi slt, %add3A_157, %lt3A_158 : vector<16xi32>
    %add3A_160 = vector.broadcast %scan3A_8#1 : i32 to vector<16xi32>
    %add3A_161 = arith.addi %add3A_160, %add3A_157 : vector<16xi32>
    %shift_right_arithmetic3A_162 = arith.constant 6 : i32
    %shift_right_arithmetic3A_163 = vector.broadcast %shift_right_arithmetic3A_162 : i32 to vector<16xi32>
    %shift_right_arithmetic3A_164 = arith.shrsi %add3A_161, %shift_right_arithmetic3A_163 : vector<16xi32>
    %mul3A_165 = arith.constant 2 : i32
    %mul3A_166 = vector.broadcast %mul3A_165 : i32 to vector<16xi32>
    %mul3A_167 = arith.muli %shift_right_arithmetic3A_164, %mul3A_166 : vector<16xi32>
    %and3A_168 = arith.constant 63 : i32
    %and3A_169 = vector.broadcast %and3A_168 : i32 to vector<16xi32>
    %and3A_170 = arith.andi %add3A_161, %and3A_169 : vector<16xi32>
    tpu.vector_store_idx %arg9[%mul3A_167, %and3A_170], %broadcast_in_dim3A_0 masked %lt3A_159 : memref<320x64xi32, #tpu.memory_space<vmem>>[vector<16xi32>, vector<16xi32>], vector<16xi32>, vector<16xi1>
    %shift_right_arithmetic3A_171 = arith.constant 6 : i32
    %shift_right_arithmetic3A_172 = vector.broadcast %shift_right_arithmetic3A_171 : i32 to vector<16xi32>
    %shift_right_arithmetic3A_173 = arith.shrsi %add3A_161, %shift_right_arithmetic3A_172 : vector<16xi32>
    %mul3A_174 = arith.constant 2 : i32
    %mul3A_175 = vector.broadcast %mul3A_174 : i32 to vector<16xi32>
    %mul3A_176 = arith.muli %shift_right_arithmetic3A_173, %mul3A_175 : vector<16xi32>
    %add3A_177 = arith.constant 1 : i32
    %add3A_178 = vector.broadcast %add3A_177 : i32 to vector<16xi32>
    %add3A_179 = arith.addi %mul3A_176, %add3A_178 : vector<16xi32>
    %and3A_180 = arith.constant 63 : i32
    %and3A_181 = vector.broadcast %and3A_180 : i32 to vector<16xi32>
    %and3A_182 = arith.andi %add3A_161, %and3A_181 : vector<16xi32>
    tpu.vector_store_idx %arg9[%add3A_179, %and3A_182], %broadcast_in_dim3A_2 masked %lt3A_159 : memref<320x64xi32, #tpu.memory_space<vmem>>[vector<16xi32>, vector<16xi32>], vector<16xi32>, vector<16xi1>
    %add3A_183 = arith.constant 32 : i32
    %add3A_184 = vector.broadcast %add3A_183 : i32 to vector<16xi32>
    %add3A_185 = arith.addi %add3A_184, %iota3A : vector<16xi32>
    %lt3A_186 = vector.broadcast %and3A_126 : i32 to vector<16xi32>
    %lt3A_187 = arith.cmpi slt, %add3A_185, %lt3A_186 : vector<16xi32>
    %add3A_188 = vector.broadcast %scan3A_8#1 : i32 to vector<16xi32>
    %add3A_189 = arith.addi %add3A_188, %add3A_185 : vector<16xi32>
    %shift_right_arithmetic3A_190 = arith.constant 6 : i32
    %shift_right_arithmetic3A_191 = vector.broadcast %shift_right_arithmetic3A_190 : i32 to vector<16xi32>
    %shift_right_arithmetic3A_192 = arith.shrsi %add3A_189, %shift_right_arithmetic3A_191 : vector<16xi32>
    %mul3A_193 = arith.constant 2 : i32
    %mul3A_194 = vector.broadcast %mul3A_193 : i32 to vector<16xi32>
    %mul3A_195 = arith.muli %shift_right_arithmetic3A_192, %mul3A_194 : vector<16xi32>
    %and3A_196 = arith.constant 63 : i32
    %and3A_197 = vector.broadcast %and3A_196 : i32 to vector<16xi32>
    %and3A_198 = arith.andi %add3A_189, %and3A_197 : vector<16xi32>
    tpu.vector_store_idx %arg9[%mul3A_195, %and3A_198], %broadcast_in_dim3A_0 masked %lt3A_187 : memref<320x64xi32, #tpu.memory_space<vmem>>[vector<16xi32>, vector<16xi32>], vector<16xi32>, vector<16xi1>
    %shift_right_arithmetic3A_199 = arith.constant 6 : i32
    %shift_right_arithmetic3A_200 = vector.broadcast %shift_right_arithmetic3A_199 : i32 to vector<16xi32>
    %shift_right_arithmetic3A_201 = arith.shrsi %add3A_189, %shift_right_arithmetic3A_200 : vector<16xi32>
    %mul3A_202 = arith.constant 2 : i32
    %mul3A_203 = vector.broadcast %mul3A_202 : i32 to vector<16xi32>
    %mul3A_204 = arith.muli %shift_right_arithmetic3A_201, %mul3A_203 : vector<16xi32>
    %add3A_205 = arith.constant 1 : i32
    %add3A_206 = vector.broadcast %add3A_205 : i32 to vector<16xi32>
    %add3A_207 = arith.addi %mul3A_204, %add3A_206 : vector<16xi32>
    %and3A_208 = arith.constant 63 : i32
    %and3A_209 = vector.broadcast %and3A_208 : i32 to vector<16xi32>
    %and3A_210 = arith.andi %add3A_189, %and3A_209 : vector<16xi32>
    tpu.vector_store_idx %arg9[%add3A_207, %and3A_210], %broadcast_in_dim3A_2 masked %lt3A_187 : memref<320x64xi32, #tpu.memory_space<vmem>>[vector<16xi32>, vector<16xi32>], vector<16xi32>, vector<16xi1>
    %add3A_211 = arith.constant 48 : i32
    %add3A_212 = vector.broadcast %add3A_211 : i32 to vector<16xi32>
    %add3A_213 = arith.addi %add3A_212, %iota3A : vector<16xi32>
    %lt3A_214 = vector.broadcast %and3A_126 : i32 to vector<16xi32>
    %lt3A_215 = arith.cmpi slt, %add3A_213, %lt3A_214 : vector<16xi32>
    %add3A_216 = vector.broadcast %scan3A_8#1 : i32 to vector<16xi32>
    %add3A_217 = arith.addi %add3A_216, %add3A_213 : vector<16xi32>
    %shift_right_arithmetic3A_218 = arith.constant 6 : i32
    %shift_right_arithmetic3A_219 = vector.broadcast %shift_right_arithmetic3A_218 : i32 to vector<16xi32>
    %shift_right_arithmetic3A_220 = arith.shrsi %add3A_217, %shift_right_arithmetic3A_219 : vector<16xi32>
    %mul3A_221 = arith.constant 2 : i32
    %mul3A_222 = vector.broadcast %mul3A_221 : i32 to vector<16xi32>
    %mul3A_223 = arith.muli %shift_right_arithmetic3A_220, %mul3A_222 : vector<16xi32>
    %and3A_224 = arith.constant 63 : i32
    %and3A_225 = vector.broadcast %and3A_224 : i32 to vector<16xi32>
    %and3A_226 = arith.andi %add3A_217, %and3A_225 : vector<16xi32>
    tpu.vector_store_idx %arg9[%mul3A_223, %and3A_226], %broadcast_in_dim3A_0 masked %lt3A_215 : memref<320x64xi32, #tpu.memory_space<vmem>>[vector<16xi32>, vector<16xi32>], vector<16xi32>, vector<16xi1>
    %shift_right_arithmetic3A_227 = arith.constant 6 : i32
    %shift_right_arithmetic3A_228 = vector.broadcast %shift_right_arithmetic3A_227 : i32 to vector<16xi32>
    %shift_right_arithmetic3A_229 = arith.shrsi %add3A_217, %shift_right_arithmetic3A_228 : vector<16xi32>
    %mul3A_230 = arith.constant 2 : i32
    %mul3A_231 = vector.broadcast %mul3A_230 : i32 to vector<16xi32>
    %mul3A_232 = arith.muli %shift_right_arithmetic3A_229, %mul3A_231 : vector<16xi32>
    %add3A_233 = arith.constant 1 : i32
    %add3A_234 = vector.broadcast %add3A_233 : i32 to vector<16xi32>
    %add3A_235 = arith.addi %mul3A_232, %add3A_234 : vector<16xi32>
    %and3A_236 = arith.constant 63 : i32
    %and3A_237 = vector.broadcast %and3A_236 : i32 to vector<16xi32>
    %and3A_238 = arith.andi %add3A_217, %and3A_237 : vector<16xi32>
    tpu.vector_store_idx %arg9[%add3A_235, %and3A_238], %broadcast_in_dim3A_2 masked %lt3A_215 : memref<320x64xi32, #tpu.memory_space<vmem>>[vector<16xi32>, vector<16xi32>], vector<16xi32>, vector<16xi1>
    %add3A_239 = arith.addi %scan3A_8#1, %and3A_126 : i32
    %shift_right_arithmetic3A_240 = arith.constant 6 : i32
    %shift_right_arithmetic3A_241 = arith.shrsi %add3A_239, %shift_right_arithmetic3A_240 : i32
    %broadcast_in_dim3A_242 = arith.constant 1 : i32
    %broadcast_in_dim3A_243 = vector.broadcast %broadcast_in_dim3A_242 : i32 to vector<16xi32>
    %mul3A_244 = vector.broadcast %shift_right_arithmetic3A_122 : i32 to vector<16xi32>
    %mul3A_245 = arith.muli %broadcast_in_dim3A_243, %mul3A_244 : vector<16xi32>
    %broadcast_in_dim3A_246 = arith.constant 1 : i32
    %broadcast_in_dim3A_247 = vector.broadcast %broadcast_in_dim3A_246 : i32 to vector<16xi32>
    %mul3A_248 = vector.broadcast %shift_right_arithmetic3A_241 : i32 to vector<16xi32>
    %mul3A_249 = arith.muli %broadcast_in_dim3A_247, %mul3A_248 : vector<16xi32>
    %swap3A = arith.constant 0 : i32
    %swap3A_250 = arith.index_cast %swap3A : i32 to index
    %swap3A_251 = arith.constant 0 : index
    %swap3A_252 = tpu.vector_load %arg10[%swap3A_250, %swap3A_251] {strides = array<i32>} : memref<2x64xi32, #tpu.memory_space<vmem>>, vector<16xi32>,
    tpu.vector_store %arg10[%swap3A_250, %swap3A_251], %mul3A_245 {strides = array<i32>} : memref<2x64xi32, #tpu.memory_space<vmem>>, vector<16xi32>,
    %swap3A_253 = arith.constant 1 : i32
    %swap3A_254 = arith.index_cast %swap3A_253 : i32 to index
    %swap3A_255 = arith.constant 0 : index
    %swap3A_256 = tpu.vector_load %arg10[%swap3A_254, %swap3A_255] {strides = array<i32>} : memref<2x64xi32, #tpu.memory_space<vmem>>, vector<16xi32>,
    tpu.vector_store %arg10[%swap3A_254, %swap3A_255], %mul3A_249 {strides = array<i32>} : memref<2x64xi32, #tpu.memory_space<vmem>>, vector<16xi32>,
    %swap3A_257 = arith.constant 0 : i32
    %swap3A_258 = arith.index_cast %swap3A_257 : i32 to index
    %swap3A_259 = arith.constant 16 : index
    %swap3A_260 = tpu.vector_load %arg10[%swap3A_258, %swap3A_259] {strides = array<i32>} : memref<2x64xi32, #tpu.memory_space<vmem>>, vector<16xi32>,
    tpu.vector_store %arg10[%swap3A_258, %swap3A_259], %mul3A_245 {strides = array<i32>} : memref<2x64xi32, #tpu.memory_space<vmem>>, vector<16xi32>,
    %swap3A_261 = arith.constant 1 : i32
    %swap3A_262 = arith.index_cast %swap3A_261 : i32 to index
    %swap3A_263 = arith.constant 16 : index
    %swap3A_264 = tpu.vector_load %arg10[%swap3A_262, %swap3A_263] {strides = array<i32>} : memref<2x64xi32, #tpu.memory_space<vmem>>, vector<16xi32>,
    tpu.vector_store %arg10[%swap3A_262, %swap3A_263], %mul3A_249 {strides = array<i32>} : memref<2x64xi32, #tpu.memory_space<vmem>>, vector<16xi32>,
    %swap3A_265 = arith.constant 0 : i32
    %swap3A_266 = arith.index_cast %swap3A_265 : i32 to index
    %swap3A_267 = arith.constant 32 : index
    %swap3A_268 = tpu.vector_load %arg10[%swap3A_266, %swap3A_267] {strides = array<i32>} : memref<2x64xi32, #tpu.memory_space<vmem>>, vector<16xi32>,
    tpu.vector_store %arg10[%swap3A_266, %swap3A_267], %mul3A_245 {strides = array<i32>} : memref<2x64xi32, #tpu.memory_space<vmem>>, vector<16xi32>,
    %swap3A_269 = arith.constant 1 : i32
    %swap3A_270 = arith.index_cast %swap3A_269 : i32 to index
    %swap3A_271 = arith.constant 32 : index
    %swap3A_272 = tpu.vector_load %arg10[%swap3A_270, %swap3A_271] {strides = array<i32>} : memref<2x64xi32, #tpu.memory_space<vmem>>, vector<16xi32>,
    tpu.vector_store %arg10[%swap3A_270, %swap3A_271], %mul3A_249 {strides = array<i32>} : memref<2x64xi32, #tpu.memory_space<vmem>>, vector<16xi32>,
    %swap3A_273 = arith.constant 0 : i32
    %swap3A_274 = arith.index_cast %swap3A_273 : i32 to index
    %swap3A_275 = arith.constant 48 : index
    %swap3A_276 = tpu.vector_load %arg10[%swap3A_274, %swap3A_275] {strides = array<i32>} : memref<2x64xi32, #tpu.memory_space<vmem>>, vector<16xi32>,
    tpu.vector_store %arg10[%swap3A_274, %swap3A_275], %mul3A_245 {strides = array<i32>} : memref<2x64xi32, #tpu.memory_space<vmem>>, vector<16xi32>,
    %swap3A_277 = arith.constant 1 : i32
    %swap3A_278 = arith.index_cast %swap3A_277 : i32 to index
    %swap3A_279 = arith.constant 48 : index
    %swap3A_280 = tpu.vector_load %arg10[%swap3A_278, %swap3A_279] {strides = array<i32>} : memref<2x64xi32, #tpu.memory_space<vmem>>, vector<16xi32>,
    tpu.vector_store %arg10[%swap3A_278, %swap3A_279], %mul3A_249 {strides = array<i32>} : memref<2x64xi32, #tpu.memory_space<vmem>>, vector<16xi32>,
    %run_scoped3A = arith.constant 0 : i32
    "tpu.region"() ({
      %run_scoped3A_286 = tpu.sem_alloc : memref<!tpu.dma_semaphore, #tpu.memory_space<semaphore_mem>>
      %dma_start3A = arith.constant 0 : i32
      %dma_start3A_287 = arith.constant 0 : i32
      %dma_start3A_288 = tpu.memref_slice %arg4[%run_scoped3A, %arg0, %arg1, %dma_start3A, %dma_start3A_287] : memref<2x2x16x320x64xi32, #tpu.memory_space<hbm>> -> memref<1x1x1x320x64xi32, #tpu.memory_space<hbm>>
      %dma_start3A_289 = tpu.memref_squeeze %dma_start3A_288 : memref<1x1x1x320x64xi32, #tpu.memory_space<hbm>> -> memref<320x64xi32, #tpu.memory_space<hbm>>
      %dma_start3A_290 = arith.constant 0 : i32
      %dma_start3A_291 = arith.constant 0 : i32
      %dma_start3A_292 = tpu.memref_slice %arg4[%run_scoped3A, %arg0, %arg1, %dma_start3A_290, %dma_start3A_291] : memref<2x2x16x320x64xi32, #tpu.memory_space<hbm>> -> memref<1x1x1x320x64xi32, #tpu.memory_space<hbm>>
      %dma_start3A_293 = tpu.memref_squeeze %dma_start3A_292 : memref<1x1x1x320x64xi32, #tpu.memory_space<hbm>> -> memref<320x64xi32, #tpu.memory_space<hbm>>
      tpu.enqueue_dma source(%arg8 : memref<320x64xi32, #tpu.memory_space<vmem>>) target(%dma_start3A_293 : memref<320x64xi32, #tpu.memory_space<hbm>>) target_semaphore(%run_scoped3A_286 : memref<!tpu.dma_semaphore, #tpu.memory_space<semaphore_mem>>)
      %dma_wait3A = arith.constant 0 : i32
      %dma_wait3A_294 = arith.constant 0 : i32
      %dma_wait3A_295 = tpu.memref_slice %arg4[%run_scoped3A, %arg0, %arg1, %dma_wait3A, %dma_wait3A_294] : memref<2x2x16x320x64xi32, #tpu.memory_space<hbm>> -> memref<1x1x1x320x64xi32, #tpu.memory_space<hbm>>
      %dma_wait3A_296 = tpu.memref_squeeze %dma_wait3A_295 : memref<1x1x1x320x64xi32, #tpu.memory_space<hbm>> -> memref<320x64xi32, #tpu.memory_space<hbm>>
      %dma_wait3A_297 = arith.constant 0 : i32
      %dma_wait3A_298 = arith.constant 0 : i32
      %dma_wait3A_299 = tpu.memref_slice %arg4[%run_scoped3A, %arg0, %arg1, %dma_wait3A_297, %dma_wait3A_298] : memref<2x2x16x320x64xi32, #tpu.memory_space<hbm>> -> memref<1x1x1x320x64xi32, #tpu.memory_space<hbm>>
      %dma_wait3A_300 = tpu.memref_squeeze %dma_wait3A_299 : memref<1x1x1x320x64xi32, #tpu.memory_space<hbm>> -> memref<320x64xi32, #tpu.memory_space<hbm>>
      tpu.wait_dma2 semaphore(%run_scoped3A_286 : memref<!tpu.dma_semaphore, #tpu.memory_space<semaphore_mem>>) src(%arg8 : memref<320x64xi32, #tpu.memory_space<vmem>>) dst(%dma_wait3A_300 : memref<320x64xi32, #tpu.memory_space<hbm>>)
      tpu.yield
    }) : () -> ()
    %run_scoped3A_281 = arith.constant 1 : i32
    "tpu.region"() ({
      %run_scoped3A_286 = tpu.sem_alloc : memref<!tpu.dma_semaphore, #tpu.memory_space<semaphore_mem>>
      %dma_start3A = arith.constant 0 : i32
      %dma_start3A_287 = arith.constant 0 : i32
      %dma_start3A_288 = tpu.memref_slice %arg4[%run_scoped3A_281, %arg0, %arg1, %dma_start3A, %dma_start3A_287] : memref<2x2x16x320x64xi32, #tpu.memory_space<hbm>> -> memref<1x1x1x320x64xi32, #tpu.memory_space<hbm>>
      %dma_start3A_289 = tpu.memref_squeeze %dma_start3A_288 : memref<1x1x1x320x64xi32, #tpu.memory_space<hbm>> -> memref<320x64xi32, #tpu.memory_space<hbm>>
      %dma_start3A_290 = arith.constant 0 : i32
      %dma_start3A_291 = arith.constant 0 : i32
      %dma_start3A_292 = tpu.memref_slice %arg4[%run_scoped3A_281, %arg0, %arg1, %dma_start3A_290, %dma_start3A_291] : memref<2x2x16x320x64xi32, #tpu.memory_space<hbm>> -> memref<1x1x1x320x64xi32, #tpu.memory_space<hbm>>
      %dma_start3A_293 = tpu.memref_squeeze %dma_start3A_292 : memref<1x1x1x320x64xi32, #tpu.memory_space<hbm>> -> memref<320x64xi32, #tpu.memory_space<hbm>>
      tpu.enqueue_dma source(%arg9 : memref<320x64xi32, #tpu.memory_space<vmem>>) target(%dma_start3A_293 : memref<320x64xi32, #tpu.memory_space<hbm>>) target_semaphore(%run_scoped3A_286 : memref<!tpu.dma_semaphore, #tpu.memory_space<semaphore_mem>>)
      %dma_wait3A = arith.constant 0 : i32
      %dma_wait3A_294 = arith.constant 0 : i32
      %dma_wait3A_295 = tpu.memref_slice %arg4[%run_scoped3A_281, %arg0, %arg1, %dma_wait3A, %dma_wait3A_294] : memref<2x2x16x320x64xi32, #tpu.memory_space<hbm>> -> memref<1x1x1x320x64xi32, #tpu.memory_space<hbm>>
      %dma_wait3A_296 = tpu.memref_squeeze %dma_wait3A_295 : memref<1x1x1x320x64xi32, #tpu.memory_space<hbm>> -> memref<320x64xi32, #tpu.memory_space<hbm>>
      %dma_wait3A_297 = arith.constant 0 : i32
      %dma_wait3A_298 = arith.constant 0 : i32
      %dma_wait3A_299 = tpu.memref_slice %arg4[%run_scoped3A_281, %arg0, %arg1, %dma_wait3A_297, %dma_wait3A_298] : memref<2x2x16x320x64xi32, #tpu.memory_space<hbm>> -> memref<1x1x1x320x64xi32, #tpu.memory_space<hbm>>
      %dma_wait3A_300 = tpu.memref_squeeze %dma_wait3A_299 : memref<1x1x1x320x64xi32, #tpu.memory_space<hbm>> -> memref<320x64xi32, #tpu.memory_space<hbm>>
      tpu.wait_dma2 semaphore(%run_scoped3A_286 : memref<!tpu.dma_semaphore, #tpu.memory_space<semaphore_mem>>) src(%arg9 : memref<320x64xi32, #tpu.memory_space<vmem>>) dst(%dma_wait3A_300 : memref<320x64xi32, #tpu.memory_space<hbm>>)
      tpu.yield
    }) : () -> ()
    %run_scoped3A_282 = arith.constant 0 : i32
    %run_scoped3A_283 = arith.constant 0 : i32
    "tpu.region"() ({
      %run_scoped3A_286 = tpu.sem_alloc : memref<!tpu.dma_semaphore, #tpu.memory_space<semaphore_mem>>
      %dma_start3A = arith.constant 0 : i32
      %dma_start3A_287 = tpu.memref_slice %arg10[%run_scoped3A_282, %dma_start3A] : memref<2x64xi32, #tpu.memory_space<vmem>> -> memref<1x64xi32, #tpu.memory_space<vmem>>
      %dma_start3A_288 = tpu.memref_squeeze %dma_start3A_287 : memref<1x64xi32, #tpu.memory_space<vmem>> -> memref<64xi32, #tpu.memory_space<vmem>>
      %dma_start3A_289 = arith.constant 0 : i32
      %dma_start3A_290 = tpu.memref_slice %arg5[%run_scoped3A_283, %arg0, %arg1, %dma_start3A_289] : memref<2x2x16x64xi32, #tpu.memory_space<hbm>> -> memref<1x1x1x64xi32, #tpu.memory_space<hbm>>
      %dma_start3A_291 = tpu.memref_squeeze %dma_start3A_290 : memref<1x1x1x64xi32, #tpu.memory_space<hbm>> -> memref<64xi32, #tpu.memory_space<hbm>>
      %dma_start3A_292 = arith.constant 0 : i32
      %dma_start3A_293 = tpu.memref_slice %arg5[%run_scoped3A_283, %arg0, %arg1, %dma_start3A_292] : memref<2x2x16x64xi32, #tpu.memory_space<hbm>> -> memref<1x1x1x64xi32, #tpu.memory_space<hbm>>
      %dma_start3A_294 = tpu.memref_squeeze %dma_start3A_293 : memref<1x1x1x64xi32, #tpu.memory_space<hbm>> -> memref<64xi32, #tpu.memory_space<hbm>>
      %dma_start3A_295 = arith.constant 0 : i32
      %dma_start3A_296 = tpu.memref_slice %arg10[%run_scoped3A_282, %dma_start3A_295] : memref<2x64xi32, #tpu.memory_space<vmem>> -> memref<1x64xi32, #tpu.memory_space<vmem>>
      %dma_start3A_297 = tpu.memref_squeeze %dma_start3A_296 : memref<1x64xi32, #tpu.memory_space<vmem>> -> memref<64xi32, #tpu.memory_space<vmem>>
      tpu.enqueue_dma source(%dma_start3A_297 : memref<64xi32, #tpu.memory_space<vmem>>) target(%dma_start3A_294 : memref<64xi32, #tpu.memory_space<hbm>>) target_semaphore(%run_scoped3A_286 : memref<!tpu.dma_semaphore, #tpu.memory_space<semaphore_mem>>)
      %dma_wait3A = arith.constant 0 : i32
      %dma_wait3A_298 = tpu.memref_slice %arg10[%run_scoped3A_282, %dma_wait3A] : memref<2x64xi32, #tpu.memory_space<vmem>> -> memref<1x64xi32, #tpu.memory_space<vmem>>
      %dma_wait3A_299 = tpu.memref_squeeze %dma_wait3A_298 : memref<1x64xi32, #tpu.memory_space<vmem>> -> memref<64xi32, #tpu.memory_space<vmem>>
      %dma_wait3A_300 = arith.constant 0 : i32
      %dma_wait3A_301 = tpu.memref_slice %arg5[%run_scoped3A_283, %arg0, %arg1, %dma_wait3A_300] : memref<2x2x16x64xi32, #tpu.memory_space<hbm>> -> memref<1x1x1x64xi32, #tpu.memory_space<hbm>>
      %dma_wait3A_302 = tpu.memref_squeeze %dma_wait3A_301 : memref<1x1x1x64xi32, #tpu.memory_space<hbm>> -> memref<64xi32, #tpu.memory_space<hbm>>
      %dma_wait3A_303 = arith.constant 0 : i32
      %dma_wait3A_304 = tpu.memref_slice %arg5[%run_scoped3A_283, %arg0, %arg1, %dma_wait3A_303] : memref<2x2x16x64xi32, #tpu.memory_space<hbm>> -> memref<1x1x1x64xi32, #tpu.memory_space<hbm>>
      %dma_wait3A_305 = tpu.memref_squeeze %dma_wait3A_304 : memref<1x1x1x64xi32, #tpu.memory_space<hbm>> -> memref<64xi32, #tpu.memory_space<hbm>>
      %dma_wait3A_306 = arith.constant 0 : i32
      %dma_wait3A_307 = tpu.memref_slice %arg10[%run_scoped3A_282, %dma_wait3A_306] : memref<2x64xi32, #tpu.memory_space<vmem>> -> memref<1x64xi32, #tpu.memory_space<vmem>>
      %dma_wait3A_308 = tpu.memref_squeeze %dma_wait3A_307 : memref<1x64xi32, #tpu.memory_space<vmem>> -> memref<64xi32, #tpu.memory_space<vmem>>
      tpu.wait_dma2 semaphore(%run_scoped3A_286 : memref<!tpu.dma_semaphore, #tpu.memory_space<semaphore_mem>>) src(%dma_wait3A_308 : memref<64xi32, #tpu.memory_space<vmem>>) dst(%dma_wait3A_305 : memref<64xi32, #tpu.memory_space<hbm>>)
      tpu.yield
    }) : () -> ()
    %run_scoped3A_284 = arith.constant 1 : i32
    %run_scoped3A_285 = arith.constant 1 : i32
    "tpu.region"() ({
      %run_scoped3A_286 = tpu.sem_alloc : memref<!tpu.dma_semaphore, #tpu.memory_space<semaphore_mem>>
      %dma_start3A = arith.constant 0 : i32
      %dma_start3A_287 = tpu.memref_slice %arg10[%run_scoped3A_284, %dma_start3A] : memref<2x64xi32, #tpu.memory_space<vmem>> -> memref<1x64xi32, #tpu.memory_space<vmem>>
      %dma_start3A_288 = tpu.memref_squeeze %dma_start3A_287 : memref<1x64xi32, #tpu.memory_space<vmem>> -> memref<64xi32, #tpu.memory_space<vmem>>
      %dma_start3A_289 = arith.constant 0 : i32
      %dma_start3A_290 = tpu.memref_slice %arg5[%run_scoped3A_285, %arg0, %arg1, %dma_start3A_289] : memref<2x2x16x64xi32, #tpu.memory_space<hbm>> -> memref<1x1x1x64xi32, #tpu.memory_space<hbm>>
      %dma_start3A_291 = tpu.memref_squeeze %dma_start3A_290 : memref<1x1x1x64xi32, #tpu.memory_space<hbm>> -> memref<64xi32, #tpu.memory_space<hbm>>
      %dma_start3A_292 = arith.constant 0 : i32
      %dma_start3A_293 = tpu.memref_slice %arg5[%run_scoped3A_285, %arg0, %arg1, %dma_start3A_292] : memref<2x2x16x64xi32, #tpu.memory_space<hbm>> -> memref<1x1x1x64xi32, #tpu.memory_space<hbm>>
      %dma_start3A_294 = tpu.memref_squeeze %dma_start3A_293 : memref<1x1x1x64xi32, #tpu.memory_space<hbm>> -> memref<64xi32, #tpu.memory_space<hbm>>
      %dma_start3A_295 = arith.constant 0 : i32
      %dma_start3A_296 = tpu.memref_slice %arg10[%run_scoped3A_284, %dma_start3A_295] : memref<2x64xi32, #tpu.memory_space<vmem>> -> memref<1x64xi32, #tpu.memory_space<vmem>>
      %dma_start3A_297 = tpu.memref_squeeze %dma_start3A_296 : memref<1x64xi32, #tpu.memory_space<vmem>> -> memref<64xi32, #tpu.memory_space<vmem>>
      tpu.enqueue_dma source(%dma_start3A_297 : memref<64xi32, #tpu.memory_space<vmem>>) target(%dma_start3A_294 : memref<64xi32, #tpu.memory_space<hbm>>) target_semaphore(%run_scoped3A_286 : memref<!tpu.dma_semaphore, #tpu.memory_space<semaphore_mem>>)
      %dma_wait3A = arith.constant 0 : i32
      %dma_wait3A_298 = tpu.memref_slice %arg10[%run_scoped3A_284, %dma_wait3A] : memref<2x64xi32, #tpu.memory_space<vmem>> -> memref<1x64xi32, #tpu.memory_space<vmem>>
      %dma_wait3A_299 = tpu.memref_squeeze %dma_wait3A_298 : memref<1x64xi32, #tpu.memory_space<vmem>> -> memref<64xi32, #tpu.memory_space<vmem>>
      %dma_wait3A_300 = arith.constant 0 : i32
      %dma_wait3A_301 = tpu.memref_slice %arg5[%run_scoped3A_285, %arg0, %arg1, %dma_wait3A_300] : memref<2x2x16x64xi32, #tpu.memory_space<hbm>> -> memref<1x1x1x64xi32, #tpu.memory_space<hbm>>
      %dma_wait3A_302 = tpu.memref_squeeze %dma_wait3A_301 : memref<1x1x1x64xi32, #tpu.memory_space<hbm>> -> memref<64xi32, #tpu.memory_space<hbm>>
      %dma_wait3A_303 = arith.constant 0 : i32
      %dma_wait3A_304 = tpu.memref_slice %arg5[%run_scoped3A_285, %arg0, %arg1, %dma_wait3A_303] : memref<2x2x16x64xi32, #tpu.memory_space<hbm>> -> memref<1x1x1x64xi32, #tpu.memory_space<hbm>>
      %dma_wait3A_305 = tpu.memref_squeeze %dma_wait3A_304 : memref<1x1x1x64xi32, #tpu.memory_space<hbm>> -> memref<64xi32, #tpu.memory_space<hbm>>
      %dma_wait3A_306 = arith.constant 0 : i32
      %dma_wait3A_307 = tpu.memref_slice %arg10[%run_scoped3A_284, %dma_wait3A_306] : memref<2x64xi32, #tpu.memory_space<vmem>> -> memref<1x64xi32, #tpu.memory_space<vmem>>
      %dma_wait3A_308 = tpu.memref_squeeze %dma_wait3A_307 : memref<1x64xi32, #tpu.memory_space<vmem>> -> memref<64xi32, #tpu.memory_space<vmem>>
      tpu.wait_dma2 semaphore(%run_scoped3A_286 : memref<!tpu.dma_semaphore, #tpu.memory_space<semaphore_mem>>) src(%dma_wait3A_308 : memref<64xi32, #tpu.memory_space<vmem>>) dst(%dma_wait3A_305 : memref<64xi32, #tpu.memory_space<hbm>>)
      tpu.yield
    }) : () -> ()
    return
  }
}

#map = affine_map<(d0, d1) -> (0, 0)>
#map1 = affine_map<(d0, d1) -> (0, 0, 0, 0, 0)>
#map2 = affine_map<(d0, d1) -> (0, 0, 0, 0)>
module attributes {stable_mosaic.version = 14 : i64} {
  func.func @agg_kernel(%arg0: i32, %arg1: i32, %arg2: memref<10000x128xf32, #tpu.memory_space<hbm>>, %arg3: memref<2x2x16x320x64xi32, #tpu.memory_space<hbm>>, %arg4: memref<2x2x16x64xi32, #tpu.memory_space<hbm>>, %arg5: memref<5128x128xf32, #tpu.memory_space<hbm>>, %arg6: memref<10240x128xf32, #tpu.memory_space<hbm>>, %arg7: memref<8x64xi32, #tpu.memory_space<vmem>>, %arg8: memref<64x128xf32, #tpu.memory_space<vmem>>, %arg9: memref<10000x128xf32, #tpu.memory_space<vmem_shared>>, %arg10: memref<5128x128xf32, #tpu.memory_space<vmem_shared>>) attributes {dimension_semantics = [#tpu.dimension_semantics<core_parallel>, #tpu.dimension_semantics<subcore_parallel>], iteration_bounds = array<i64: 2, 16>, scalar_prefetch = 0 : i64, scratch_operands = 4 : i64, tpu.core_type = #tpu.core_type<sc_vector_subcore>, window_params = [{transform_indices = #map}, {transform_indices = #map1}, {transform_indices = #map2}, {transform_indices = #map}, {transform_indices = #map}]} {
    %mul3A = arith.constant 624 : i32
    %mul3A_0 = arith.muli %arg1, %mul3A : i32
    %mul3A_1 = arith.constant 624 : i32
    %mul3A_2 = arith.muli %arg1, %mul3A_1 : i32
    "tpu.region"() ({
      %run_scoped3A_76 = tpu.sem_alloc : memref<!tpu.dma_semaphore, #tpu.memory_space<semaphore_mem>>
      %dma_start3A = arith.constant 0 : i32
      %dma_start3A_77 = tpu.memref_slice %arg9[%mul3A_2, %dma_start3A] : memref<10000x128xf32, #tpu.memory_space<vmem_shared>> -> memref<624x128xf32, #tpu.memory_space<vmem_shared>>
      %dma_start3A_78 = arith.constant 0 : i32
      %dma_start3A_79 = tpu.memref_slice %arg2[%mul3A_0, %dma_start3A_78] : memref<10000x128xf32, #tpu.memory_space<hbm>> -> memref<624x128xf32, #tpu.memory_space<hbm>>
      tpu.enqueue_dma source(%dma_start3A_79 : memref<624x128xf32, #tpu.memory_space<hbm>>) target(%dma_start3A_77 : memref<624x128xf32, #tpu.memory_space<vmem_shared>>) target_semaphore(%run_scoped3A_76 : memref<!tpu.dma_semaphore, #tpu.memory_space<semaphore_mem>>)
      %dma_wait3A = arith.constant 0 : i32
      %dma_wait3A_80 = tpu.memref_slice %arg9[%mul3A_2, %dma_wait3A] : memref<10000x128xf32, #tpu.memory_space<vmem_shared>> -> memref<624x128xf32, #tpu.memory_space<vmem_shared>>
      %dma_wait3A_81 = arith.constant 0 : i32
      %dma_wait3A_82 = tpu.memref_slice %arg2[%mul3A_0, %dma_wait3A_81] : memref<10000x128xf32, #tpu.memory_space<hbm>> -> memref<624x128xf32, #tpu.memory_space<hbm>>
      tpu.wait_dma2 semaphore(%run_scoped3A_76 : memref<!tpu.dma_semaphore, #tpu.memory_space<semaphore_mem>>) src(%dma_wait3A_82 : memref<624x128xf32, #tpu.memory_space<hbm>>) dst(%dma_wait3A_80 : memref<624x128xf32, #tpu.memory_space<vmem_shared>>)
      tpu.yield
    }) : () -> ()
    %mul3A_3 = arith.constant 320 : i32
    %mul3A_4 = arith.muli %arg1, %mul3A_3 : i32
    %mul3A_5 = arith.constant 320 : i32
    %mul3A_6 = arith.muli %arg1, %mul3A_5 : i32
    "tpu.region"() ({
      %run_scoped3A_76 = tpu.sem_alloc : memref<!tpu.dma_semaphore, #tpu.memory_space<semaphore_mem>>
      %dma_start3A = arith.constant 0 : i32
      %dma_start3A_77 = tpu.memref_slice %arg10[%mul3A_6, %dma_start3A] : memref<5128x128xf32, #tpu.memory_space<vmem_shared>> -> memref<320x128xf32, #tpu.memory_space<vmem_shared>>
      %dma_start3A_78 = arith.constant 0 : i32
      %dma_start3A_79 = tpu.memref_slice %arg5[%mul3A_4, %dma_start3A_78] : memref<5128x128xf32, #tpu.memory_space<hbm>> -> memref<320x128xf32, #tpu.memory_space<hbm>>
      tpu.enqueue_dma source(%dma_start3A_79 : memref<320x128xf32, #tpu.memory_space<hbm>>) target(%dma_start3A_77 : memref<320x128xf32, #tpu.memory_space<vmem_shared>>) target_semaphore(%run_scoped3A_76 : memref<!tpu.dma_semaphore, #tpu.memory_space<semaphore_mem>>)
      %dma_wait3A = arith.constant 0 : i32
      %dma_wait3A_80 = tpu.memref_slice %arg10[%mul3A_6, %dma_wait3A] : memref<5128x128xf32, #tpu.memory_space<vmem_shared>> -> memref<320x128xf32, #tpu.memory_space<vmem_shared>>
      %dma_wait3A_81 = arith.constant 0 : i32
      %dma_wait3A_82 = tpu.memref_slice %arg5[%mul3A_4, %dma_wait3A_81] : memref<5128x128xf32, #tpu.memory_space<hbm>> -> memref<320x128xf32, #tpu.memory_space<hbm>>
      tpu.wait_dma2 semaphore(%run_scoped3A_76 : memref<!tpu.dma_semaphore, #tpu.memory_space<semaphore_mem>>) src(%dma_wait3A_82 : memref<320x128xf32, #tpu.memory_space<hbm>>) dst(%dma_wait3A_80 : memref<320x128xf32, #tpu.memory_space<vmem_shared>>)
      tpu.yield
    }) : () -> ()
    %eq3A = arith.constant 0 : i32
    %eq3A_7 = arith.cmpi eq, %arg1, %eq3A : i32
    %convert_element_type3A = arith.extui %eq3A_7 : i1 to i32
    %cond3A = arith.constant 0 : i32
    %cond3A_8 = arith.cmpi ne, %convert_element_type3A, %cond3A : i32
    scf.if %cond3A_8 {
      "tpu.region"() ({
        %run_scoped3A_76 = tpu.sem_alloc : memref<!tpu.dma_semaphore, #tpu.memory_space<semaphore_mem>>
        %dma_start3A = arith.constant 9984 : i32
        %dma_start3A_77 = arith.constant 0 : i32
        %dma_start3A_78 = tpu.memref_slice %arg9[%dma_start3A, %dma_start3A_77] : memref<10000x128xf32, #tpu.memory_space<vmem_shared>> -> memref<16x128xf32, #tpu.memory_space<vmem_shared>>
        %dma_start3A_79 = arith.constant 9984 : i32
        %dma_start3A_80 = arith.constant 0 : i32
        %dma_start3A_81 = tpu.memref_slice %arg2[%dma_start3A_79, %dma_start3A_80] : memref<10000x128xf32, #tpu.memory_space<hbm>> -> memref<16x128xf32, #tpu.memory_space<hbm>>
        tpu.enqueue_dma source(%dma_start3A_81 : memref<16x128xf32, #tpu.memory_space<hbm>>) target(%dma_start3A_78 : memref<16x128xf32, #tpu.memory_space<vmem_shared>>) target_semaphore(%run_scoped3A_76 : memref<!tpu.dma_semaphore, #tpu.memory_space<semaphore_mem>>)
        %dma_wait3A = arith.constant 9984 : i32
        %dma_wait3A_82 = arith.constant 0 : i32
        %dma_wait3A_83 = tpu.memref_slice %arg9[%dma_wait3A, %dma_wait3A_82] : memref<10000x128xf32, #tpu.memory_space<vmem_shared>> -> memref<16x128xf32, #tpu.memory_space<vmem_shared>>
        %dma_wait3A_84 = arith.constant 9984 : i32
        %dma_wait3A_85 = arith.constant 0 : i32
        %dma_wait3A_86 = tpu.memref_slice %arg2[%dma_wait3A_84, %dma_wait3A_85] : memref<10000x128xf32, #tpu.memory_space<hbm>> -> memref<16x128xf32, #tpu.memory_space<hbm>>
        tpu.wait_dma2 semaphore(%run_scoped3A_76 : memref<!tpu.dma_semaphore, #tpu.memory_space<semaphore_mem>>) src(%dma_wait3A_86 : memref<16x128xf32, #tpu.memory_space<hbm>>) dst(%dma_wait3A_83 : memref<16x128xf32, #tpu.memory_space<vmem_shared>>)
        tpu.yield
      }) : () -> ()
      "tpu.region"() ({
        %run_scoped3A_76 = tpu.sem_alloc : memref<!tpu.dma_semaphore, #tpu.memory_space<semaphore_mem>>
        %dma_start3A = arith.constant 5120 : i32
        %dma_start3A_77 = arith.constant 0 : i32
        %dma_start3A_78 = tpu.memref_slice %arg10[%dma_start3A, %dma_start3A_77] : memref<5128x128xf32, #tpu.memory_space<vmem_shared>> -> memref<8x128xf32, #tpu.memory_space<vmem_shared>>
        %dma_start3A_79 = arith.constant 5120 : i32
        %dma_start3A_80 = arith.constant 0 : i32
        %dma_start3A_81 = tpu.memref_slice %arg5[%dma_start3A_79, %dma_start3A_80] : memref<5128x128xf32, #tpu.memory_space<hbm>> -> memref<8x128xf32, #tpu.memory_space<hbm>>
        tpu.enqueue_dma source(%dma_start3A_81 : memref<8x128xf32, #tpu.memory_space<hbm>>) target(%dma_start3A_78 : memref<8x128xf32, #tpu.memory_space<vmem_shared>>) target_semaphore(%run_scoped3A_76 : memref<!tpu.dma_semaphore, #tpu.memory_space<semaphore_mem>>)
        %dma_wait3A = arith.constant 5120 : i32
        %dma_wait3A_82 = arith.constant 0 : i32
        %dma_wait3A_83 = tpu.memref_slice %arg10[%dma_wait3A, %dma_wait3A_82] : memref<5128x128xf32, #tpu.memory_space<vmem_shared>> -> memref<8x128xf32, #tpu.memory_space<vmem_shared>>
        %dma_wait3A_84 = arith.constant 5120 : i32
        %dma_wait3A_85 = arith.constant 0 : i32
        %dma_wait3A_86 = tpu.memref_slice %arg5[%dma_wait3A_84, %dma_wait3A_85] : memref<5128x128xf32, #tpu.memory_space<hbm>> -> memref<8x128xf32, #tpu.memory_space<hbm>>
        tpu.wait_dma2 semaphore(%run_scoped3A_76 : memref<!tpu.dma_semaphore, #tpu.memory_space<semaphore_mem>>) src(%dma_wait3A_86 : memref<8x128xf32, #tpu.memory_space<hbm>>) dst(%dma_wait3A_83 : memref<8x128xf32, #tpu.memory_space<vmem_shared>>)
        tpu.yield
      }) : () -> ()
    } else {
    }
    %barrier3A = arith.constant 0 : index
    tpu.barrier barrier_id(%barrier3A)
    %run_scoped3A = arith.constant 0 : i32
    %run_scoped3A_9 = arith.constant 0 : i32
    "tpu.region"() ({
      %run_scoped3A_76 = tpu.sem_alloc : memref<!tpu.dma_semaphore, #tpu.memory_space<semaphore_mem>>
      %dma_start3A = arith.constant 0 : i32
      %dma_start3A_77 = tpu.memref_slice %arg7[%run_scoped3A_9, %dma_start3A] : memref<8x64xi32, #tpu.memory_space<vmem>> -> memref<1x64xi32, #tpu.memory_space<vmem>>
      %dma_start3A_78 = tpu.memref_squeeze %dma_start3A_77 : memref<1x64xi32, #tpu.memory_space<vmem>> -> memref<64xi32, #tpu.memory_space<vmem>>
      %dma_start3A_79 = arith.constant 0 : i32
      %dma_start3A_80 = tpu.memref_slice %arg4[%arg0, %run_scoped3A, %arg1, %dma_start3A_79] : memref<2x2x16x64xi32, #tpu.memory_space<hbm>> -> memref<1x1x1x64xi32, #tpu.memory_space<hbm>>
      %dma_start3A_81 = tpu.memref_squeeze %dma_start3A_80 : memref<1x1x1x64xi32, #tpu.memory_space<hbm>> -> memref<64xi32, #tpu.memory_space<hbm>>
      %dma_start3A_82 = arith.constant 0 : i32
      %dma_start3A_83 = tpu.memref_slice %arg7[%run_scoped3A_9, %dma_start3A_82] : memref<8x64xi32, #tpu.memory_space<vmem>> -> memref<1x64xi32, #tpu.memory_space<vmem>>
      %dma_start3A_84 = tpu.memref_squeeze %dma_start3A_83 : memref<1x64xi32, #tpu.memory_space<vmem>> -> memref<64xi32, #tpu.memory_space<vmem>>
      %dma_start3A_85 = arith.constant 0 : i32
      %dma_start3A_86 = tpu.memref_slice %arg4[%arg0, %run_scoped3A, %arg1, %dma_start3A_85] : memref<2x2x16x64xi32, #tpu.memory_space<hbm>> -> memref<1x1x1x64xi32, #tpu.memory_space<hbm>>
      %dma_start3A_87 = tpu.memref_squeeze %dma_start3A_86 : memref<1x1x1x64xi32, #tpu.memory_space<hbm>> -> memref<64xi32, #tpu.memory_space<hbm>>
      tpu.enqueue_dma source(%dma_start3A_87 : memref<64xi32, #tpu.memory_space<hbm>>) target(%dma_start3A_84 : memref<64xi32, #tpu.memory_space<vmem>>) target_semaphore(%run_scoped3A_76 : memref<!tpu.dma_semaphore, #tpu.memory_space<semaphore_mem>>)
      %dma_wait3A = arith.constant 0 : i32
      %dma_wait3A_88 = tpu.memref_slice %arg7[%run_scoped3A_9, %dma_wait3A] : memref<8x64xi32, #tpu.memory_space<vmem>> -> memref<1x64xi32, #tpu.memory_space<vmem>>
      %dma_wait3A_89 = tpu.memref_squeeze %dma_wait3A_88 : memref<1x64xi32, #tpu.memory_space<vmem>> -> memref<64xi32, #tpu.memory_space<vmem>>
      %dma_wait3A_90 = arith.constant 0 : i32
      %dma_wait3A_91 = tpu.memref_slice %arg4[%arg0, %run_scoped3A, %arg1, %dma_wait3A_90] : memref<2x2x16x64xi32, #tpu.memory_space<hbm>> -> memref<1x1x1x64xi32, #tpu.memory_space<hbm>>
      %dma_wait3A_92 = tpu.memref_squeeze %dma_wait3A_91 : memref<1x1x1x64xi32, #tpu.memory_space<hbm>> -> memref<64xi32, #tpu.memory_space<hbm>>
      %dma_wait3A_93 = arith.constant 0 : i32
      %dma_wait3A_94 = tpu.memref_slice %arg7[%run_scoped3A_9, %dma_wait3A_93] : memref<8x64xi32, #tpu.memory_space<vmem>> -> memref<1x64xi32, #tpu.memory_space<vmem>>
      %dma_wait3A_95 = tpu.memref_squeeze %dma_wait3A_94 : memref<1x64xi32, #tpu.memory_space<vmem>> -> memref<64xi32, #tpu.memory_space<vmem>>
      %dma_wait3A_96 = arith.constant 0 : i32
      %dma_wait3A_97 = tpu.memref_slice %arg4[%arg0, %run_scoped3A, %arg1, %dma_wait3A_96] : memref<2x2x16x64xi32, #tpu.memory_space<hbm>> -> memref<1x1x1x64xi32, #tpu.memory_space<hbm>>
      %dma_wait3A_98 = tpu.memref_squeeze %dma_wait3A_97 : memref<1x1x1x64xi32, #tpu.memory_space<hbm>> -> memref<64xi32, #tpu.memory_space<hbm>>
      tpu.wait_dma2 semaphore(%run_scoped3A_76 : memref<!tpu.dma_semaphore, #tpu.memory_space<semaphore_mem>>) src(%dma_wait3A_98 : memref<64xi32, #tpu.memory_space<hbm>>) dst(%dma_wait3A_95 : memref<64xi32, #tpu.memory_space<vmem>>)
      tpu.yield
    }) : () -> ()
    %get3A = arith.constant 0 : i32
    %get3A_10 = arith.index_cast %get3A : i32 to index
    %get3A_11 = arith.constant 0 : index
    %get3A_12 = tpu.vector_load %arg7[%get3A_10, %get3A_11] {strides = array<i32>} : memref<8x64xi32, #tpu.memory_space<vmem>>, vector<16xi32>,
    %reduce_max3A = arith.constant true
    %reduce_max3A_13 = vector.broadcast %reduce_max3A : i1 to vector<16xi1>
    %reduce_max3A_14 = arith.constant -2147483648 : i32
    %reduce_max3A_15 = vector.broadcast %reduce_max3A_14 : i32 to vector<16xi32>
    %reduce_max3A_16 = arith.xori %get3A_12, %reduce_max3A_15 : vector<16xi32>
    %reduce_max3A_17 = tpu.scan <max>, %reduce_max3A_16 masked %reduce_max3A_13 : vector<16xi32>, vector<16xi1> -> vector<16xi32>
    %reduce_max3A_18 = arith.xori %reduce_max3A_17, %reduce_max3A_15 : vector<16xi32>
    %reduce_max3A_19 = vector.extract %reduce_max3A_18[15] : i32 from vector<16xi32>
    %sub3A = arith.constant 0 : i32
    %sub3A_20 = arith.subi %reduce_max3A_19, %sub3A : i32
    %sub3A_21 = arith.constant 1 : i32
    %sub3A_22 = arith.constant 1 : i32
    %sub3A_23 = arith.subi %sub3A_21, %sub3A_22 : i32
    %add3A = arith.addi %sub3A_20, %sub3A_23 : i32
    %div3A = arith.constant 1 : i32
    %div3A_24 = arith.divsi %add3A, %div3A : i32
    %while3A = arith.constant 1 : i32
    %while3A_25 = arith.constant 0 : i32
    %while3A_26 = arith.constant 0 : i32
    %while3A_27 = arith.subi %div3A_24, %while3A_26 : i32
    %while3A_28 = arith.addi %while3A_26, %while3A_27 : i32
    %while3A_29 = arith.constant 1 : i32
    %while3A_30 = arith.divsi %while3A_27, %while3A_29 : i32
    %while3A_31 = arith.muli %while3A_30, %while3A_29 : i32
    %while3A_32 = arith.addi %while3A_26, %while3A_31 : i32
    %while3A_33 = arith.constant 1 : i32
    scf.for %while3A_76 = %while3A_26 to %while3A_32 step %while3A_33  : i32 {
      %mul3A_77 = arith.muli %while3A_76, %while3A : i32
      %add3A_78 = arith.addi %while3A_25, %mul3A_77 : i32
      %and3A = arith.constant 3 : i32
      %and3A_79 = arith.andi %add3A_78, %and3A : i32
      %eq3A_80 = arith.constant 0 : i32
      %eq3A_81 = arith.cmpi eq, %and3A_79, %eq3A_80 : i32
      %convert_element_type3A_82 = arith.extui %eq3A_81 : i1 to i32
      %cond3A_83 = arith.constant 0 : i32
      %cond3A_84 = arith.cmpi ne, %convert_element_type3A_82, %cond3A_83 : i32
      scf.if %cond3A_84 {
        %shift_right_arithmetic3A = arith.constant 2 : i32
        %shift_right_arithmetic3A_91 = arith.shrsi %add3A_78, %shift_right_arithmetic3A : i32
        %mul3A_92 = arith.constant 8 : i32
        %mul3A_93 = arith.muli %shift_right_arithmetic3A_91, %mul3A_92 : i32
        %run_scoped3A_94 = arith.constant 0 : i32
        "tpu.region"() ({
          %run_scoped3A_95 = tpu.sem_alloc : memref<!tpu.dma_semaphore, #tpu.memory_space<semaphore_mem>>
          %dma_start3A = arith.constant 0 : i32
          %dma_start3A_96 = tpu.memref_slice %arg3[%arg0, %run_scoped3A_94, %arg1, %mul3A_93, %dma_start3A] : memref<2x2x16x320x64xi32, #tpu.memory_space<hbm>> -> memref<1x1x1x8x64xi32, #tpu.memory_space<hbm>>
          %dma_start3A_97 = tpu.memref_squeeze %dma_start3A_96 : memref<1x1x1x8x64xi32, #tpu.memory_space<hbm>> -> memref<8x64xi32, #tpu.memory_space<hbm>>
          %dma_start3A_98 = arith.constant 0 : i32
          %dma_start3A_99 = tpu.memref_slice %arg3[%arg0, %run_scoped3A_94, %arg1, %mul3A_93, %dma_start3A_98] : memref<2x2x16x320x64xi32, #tpu.memory_space<hbm>> -> memref<1x1x1x8x64xi32, #tpu.memory_space<hbm>>
          %dma_start3A_100 = tpu.memref_squeeze %dma_start3A_99 : memref<1x1x1x8x64xi32, #tpu.memory_space<hbm>> -> memref<8x64xi32, #tpu.memory_space<hbm>>
          tpu.enqueue_dma source(%dma_start3A_100 : memref<8x64xi32, #tpu.memory_space<hbm>>) target(%arg7 : memref<8x64xi32, #tpu.memory_space<vmem>>) target_semaphore(%run_scoped3A_95 : memref<!tpu.dma_semaphore, #tpu.memory_space<semaphore_mem>>)
          %dma_wait3A = arith.constant 0 : i32
          %dma_wait3A_101 = tpu.memref_slice %arg3[%arg0, %run_scoped3A_94, %arg1, %mul3A_93, %dma_wait3A] : memref<2x2x16x320x64xi32, #tpu.memory_space<hbm>> -> memref<1x1x1x8x64xi32, #tpu.memory_space<hbm>>
          %dma_wait3A_102 = tpu.memref_squeeze %dma_wait3A_101 : memref<1x1x1x8x64xi32, #tpu.memory_space<hbm>> -> memref<8x64xi32, #tpu.memory_space<hbm>>
          %dma_wait3A_103 = arith.constant 0 : i32
          %dma_wait3A_104 = tpu.memref_slice %arg3[%arg0, %run_scoped3A_94, %arg1, %mul3A_93, %dma_wait3A_103] : memref<2x2x16x320x64xi32, #tpu.memory_space<hbm>> -> memref<1x1x1x8x64xi32, #tpu.memory_space<hbm>>
          %dma_wait3A_105 = tpu.memref_squeeze %dma_wait3A_104 : memref<1x1x1x8x64xi32, #tpu.memory_space<hbm>> -> memref<8x64xi32, #tpu.memory_space<hbm>>
          tpu.wait_dma2 semaphore(%run_scoped3A_95 : memref<!tpu.dma_semaphore, #tpu.memory_space<semaphore_mem>>) src(%dma_wait3A_105 : memref<8x64xi32, #tpu.memory_space<hbm>>) dst(%arg7 : memref<8x64xi32, #tpu.memory_space<vmem>>)
          tpu.yield
        }) : () -> ()
      } else {
      }
      %mul3A_85 = arith.constant 2 : i32
      %mul3A_86 = arith.muli %mul3A_85, %and3A_79 : i32
      "tpu.region"() ({
        %run_scoped3A_91 = tpu.sem_alloc : memref<!tpu.dma_semaphore, #tpu.memory_space<semaphore_mem>>
        %dma_start3A = arith.constant 0 : i32
        %dma_start3A_92 = tpu.memref_slice %arg7[%mul3A_86, %dma_start3A] : memref<8x64xi32, #tpu.memory_space<vmem>> -> memref<1x64xi32, #tpu.memory_space<vmem>>
        %dma_start3A_93 = tpu.memref_squeeze %dma_start3A_92 : memref<1x64xi32, #tpu.memory_space<vmem>> -> memref<64xi32, #tpu.memory_space<vmem>>
        %dma_start3A_94 = arith.constant 0 : i32
        %dma_start3A_95 = arith.constant 0 : i32
        %dma_start3A_96 = tpu.memref_slice %arg9[%dma_start3A_94, %dma_start3A_95] : memref<10000x128xf32, #tpu.memory_space<vmem_shared>> -> memref<10000x128xf32, #tpu.memory_space<vmem_shared>>
        tpu.enqueue_indirect_dma source(%dma_start3A_96 : memref<10000x128xf32, #tpu.memory_space<vmem_shared>>) target(%arg8 : memref<64x128xf32, #tpu.memory_space<vmem>>) offsets(%dma_start3A_93 : memref<64xi32, #tpu.memory_space<vmem>>) semaphore(%run_scoped3A_91 : memref<!tpu.dma_semaphore, #tpu.memory_space<semaphore_mem>>)
        %dma_wait3A = arith.constant 0 : i32
        %dma_wait3A_97 = tpu.memref_slice %arg7[%mul3A_86, %dma_wait3A] : memref<8x64xi32, #tpu.memory_space<vmem>> -> memref<1x64xi32, #tpu.memory_space<vmem>>
        %dma_wait3A_98 = tpu.memref_squeeze %dma_wait3A_97 : memref<1x64xi32, #tpu.memory_space<vmem>> -> memref<64xi32, #tpu.memory_space<vmem>>
        %dma_wait3A_99 = arith.constant 0 : i32
        %dma_wait3A_100 = arith.constant 0 : i32
        %dma_wait3A_101 = tpu.memref_slice %arg9[%dma_wait3A_99, %dma_wait3A_100] : memref<10000x128xf32, #tpu.memory_space<vmem_shared>> -> memref<10000x128xf32, #tpu.memory_space<vmem_shared>>
        tpu.wait_indirect_dma semaphore(%run_scoped3A_91 : memref<!tpu.dma_semaphore, #tpu.memory_space<semaphore_mem>>) src(%dma_wait3A_101 : memref<10000x128xf32, #tpu.memory_space<vmem_shared>>) dst(%arg8 : memref<64x128xf32, #tpu.memory_space<vmem>>)
        tpu.yield
      }) : () -> ()
      %mul3A_87 = arith.constant 2 : i32
      %mul3A_88 = arith.muli %mul3A_87, %and3A_79 : i32
      %add3A_89 = arith.constant 1 : i32
      %add3A_90 = arith.addi %mul3A_88, %add3A_89 : i32
      "tpu.region"() ({
        %run_scoped3A_91 = tpu.sem_alloc : memref<!tpu.dma_semaphore, #tpu.memory_space<semaphore_mem>>
        %dma_start3A = arith.constant 0 : i32
        %dma_start3A_92 = tpu.memref_slice %arg7[%add3A_90, %dma_start3A] : memref<8x64xi32, #tpu.memory_space<vmem>> -> memref<1x64xi32, #tpu.memory_space<vmem>>
        %dma_start3A_93 = tpu.memref_squeeze %dma_start3A_92 : memref<1x64xi32, #tpu.memory_space<vmem>> -> memref<64xi32, #tpu.memory_space<vmem>>
        %dma_start3A_94 = arith.constant 0 : i32
        %dma_start3A_95 = arith.constant 0 : i32
        %dma_start3A_96 = tpu.memref_slice %arg10[%dma_start3A_94, %dma_start3A_95] : memref<5128x128xf32, #tpu.memory_space<vmem_shared>> -> memref<5128x128xf32, #tpu.memory_space<vmem_shared>>
        tpu.enqueue_indirect_dma source(%arg8 : memref<64x128xf32, #tpu.memory_space<vmem>>) target(%dma_start3A_96 : memref<5128x128xf32, #tpu.memory_space<vmem_shared>>) offsets(%dma_start3A_93 : memref<64xi32, #tpu.memory_space<vmem>>) semaphore(%run_scoped3A_91 : memref<!tpu.dma_semaphore, #tpu.memory_space<semaphore_mem>>) {add = true}
        %dma_wait3A = arith.constant 0 : i32
        %dma_wait3A_97 = tpu.memref_slice %arg7[%add3A_90, %dma_wait3A] : memref<8x64xi32, #tpu.memory_space<vmem>> -> memref<1x64xi32, #tpu.memory_space<vmem>>
        %dma_wait3A_98 = tpu.memref_squeeze %dma_wait3A_97 : memref<1x64xi32, #tpu.memory_space<vmem>> -> memref<64xi32, #tpu.memory_space<vmem>>
        %dma_wait3A_99 = arith.constant 0 : i32
        %dma_wait3A_100 = arith.constant 0 : i32
        %dma_wait3A_101 = tpu.memref_slice %arg10[%dma_wait3A_99, %dma_wait3A_100] : memref<5128x128xf32, #tpu.memory_space<vmem_shared>> -> memref<5128x128xf32, #tpu.memory_space<vmem_shared>>
        tpu.wait_indirect_dma semaphore(%run_scoped3A_91 : memref<!tpu.dma_semaphore, #tpu.memory_space<semaphore_mem>>) src(%arg8 : memref<64x128xf32, #tpu.memory_space<vmem>>) dst(%dma_wait3A_101 : memref<5128x128xf32, #tpu.memory_space<vmem_shared>>)
        tpu.yield
      }) : () -> ()
    }
    %while3A_34 = arith.constant 1 : i32
    scf.for %while3A_76 = %while3A_32 to %while3A_28 step %while3A_34  : i32 {
      %mul3A_77 = arith.muli %while3A_76, %while3A : i32
      %add3A_78 = arith.addi %while3A_25, %mul3A_77 : i32
      %and3A = arith.constant 3 : i32
      %and3A_79 = arith.andi %add3A_78, %and3A : i32
      %eq3A_80 = arith.constant 0 : i32
      %eq3A_81 = arith.cmpi eq, %and3A_79, %eq3A_80 : i32
      %convert_element_type3A_82 = arith.extui %eq3A_81 : i1 to i32
      %cond3A_83 = arith.constant 0 : i32
      %cond3A_84 = arith.cmpi ne, %convert_element_type3A_82, %cond3A_83 : i32
      scf.if %cond3A_84 {
        %shift_right_arithmetic3A = arith.constant 2 : i32
        %shift_right_arithmetic3A_91 = arith.shrsi %add3A_78, %shift_right_arithmetic3A : i32
        %mul3A_92 = arith.constant 8 : i32
        %mul3A_93 = arith.muli %shift_right_arithmetic3A_91, %mul3A_92 : i32
        %run_scoped3A_94 = arith.constant 0 : i32
        "tpu.region"() ({
          %run_scoped3A_95 = tpu.sem_alloc : memref<!tpu.dma_semaphore, #tpu.memory_space<semaphore_mem>>
          %dma_start3A = arith.constant 0 : i32
          %dma_start3A_96 = tpu.memref_slice %arg3[%arg0, %run_scoped3A_94, %arg1, %mul3A_93, %dma_start3A] : memref<2x2x16x320x64xi32, #tpu.memory_space<hbm>> -> memref<1x1x1x8x64xi32, #tpu.memory_space<hbm>>
          %dma_start3A_97 = tpu.memref_squeeze %dma_start3A_96 : memref<1x1x1x8x64xi32, #tpu.memory_space<hbm>> -> memref<8x64xi32, #tpu.memory_space<hbm>>
          %dma_start3A_98 = arith.constant 0 : i32
          %dma_start3A_99 = tpu.memref_slice %arg3[%arg0, %run_scoped3A_94, %arg1, %mul3A_93, %dma_start3A_98] : memref<2x2x16x320x64xi32, #tpu.memory_space<hbm>> -> memref<1x1x1x8x64xi32, #tpu.memory_space<hbm>>
          %dma_start3A_100 = tpu.memref_squeeze %dma_start3A_99 : memref<1x1x1x8x64xi32, #tpu.memory_space<hbm>> -> memref<8x64xi32, #tpu.memory_space<hbm>>
          tpu.enqueue_dma source(%dma_start3A_100 : memref<8x64xi32, #tpu.memory_space<hbm>>) target(%arg7 : memref<8x64xi32, #tpu.memory_space<vmem>>) target_semaphore(%run_scoped3A_95 : memref<!tpu.dma_semaphore, #tpu.memory_space<semaphore_mem>>)
          %dma_wait3A = arith.constant 0 : i32
          %dma_wait3A_101 = tpu.memref_slice %arg3[%arg0, %run_scoped3A_94, %arg1, %mul3A_93, %dma_wait3A] : memref<2x2x16x320x64xi32, #tpu.memory_space<hbm>> -> memref<1x1x1x8x64xi32, #tpu.memory_space<hbm>>
          %dma_wait3A_102 = tpu.memref_squeeze %dma_wait3A_101 : memref<1x1x1x8x64xi32, #tpu.memory_space<hbm>> -> memref<8x64xi32, #tpu.memory_space<hbm>>
          %dma_wait3A_103 = arith.constant 0 : i32
          %dma_wait3A_104 = tpu.memref_slice %arg3[%arg0, %run_scoped3A_94, %arg1, %mul3A_93, %dma_wait3A_103] : memref<2x2x16x320x64xi32, #tpu.memory_space<hbm>> -> memref<1x1x1x8x64xi32, #tpu.memory_space<hbm>>
          %dma_wait3A_105 = tpu.memref_squeeze %dma_wait3A_104 : memref<1x1x1x8x64xi32, #tpu.memory_space<hbm>> -> memref<8x64xi32, #tpu.memory_space<hbm>>
          tpu.wait_dma2 semaphore(%run_scoped3A_95 : memref<!tpu.dma_semaphore, #tpu.memory_space<semaphore_mem>>) src(%dma_wait3A_105 : memref<8x64xi32, #tpu.memory_space<hbm>>) dst(%arg7 : memref<8x64xi32, #tpu.memory_space<vmem>>)
          tpu.yield
        }) : () -> ()
      } else {
      }
      %mul3A_85 = arith.constant 2 : i32
      %mul3A_86 = arith.muli %mul3A_85, %and3A_79 : i32
      "tpu.region"() ({
        %run_scoped3A_91 = tpu.sem_alloc : memref<!tpu.dma_semaphore, #tpu.memory_space<semaphore_mem>>
        %dma_start3A = arith.constant 0 : i32
        %dma_start3A_92 = tpu.memref_slice %arg7[%mul3A_86, %dma_start3A] : memref<8x64xi32, #tpu.memory_space<vmem>> -> memref<1x64xi32, #tpu.memory_space<vmem>>
        %dma_start3A_93 = tpu.memref_squeeze %dma_start3A_92 : memref<1x64xi32, #tpu.memory_space<vmem>> -> memref<64xi32, #tpu.memory_space<vmem>>
        %dma_start3A_94 = arith.constant 0 : i32
        %dma_start3A_95 = arith.constant 0 : i32
        %dma_start3A_96 = tpu.memref_slice %arg9[%dma_start3A_94, %dma_start3A_95] : memref<10000x128xf32, #tpu.memory_space<vmem_shared>> -> memref<10000x128xf32, #tpu.memory_space<vmem_shared>>
        tpu.enqueue_indirect_dma source(%dma_start3A_96 : memref<10000x128xf32, #tpu.memory_space<vmem_shared>>) target(%arg8 : memref<64x128xf32, #tpu.memory_space<vmem>>) offsets(%dma_start3A_93 : memref<64xi32, #tpu.memory_space<vmem>>) semaphore(%run_scoped3A_91 : memref<!tpu.dma_semaphore, #tpu.memory_space<semaphore_mem>>)
        %dma_wait3A = arith.constant 0 : i32
        %dma_wait3A_97 = tpu.memref_slice %arg7[%mul3A_86, %dma_wait3A] : memref<8x64xi32, #tpu.memory_space<vmem>> -> memref<1x64xi32, #tpu.memory_space<vmem>>
        %dma_wait3A_98 = tpu.memref_squeeze %dma_wait3A_97 : memref<1x64xi32, #tpu.memory_space<vmem>> -> memref<64xi32, #tpu.memory_space<vmem>>
        %dma_wait3A_99 = arith.constant 0 : i32
        %dma_wait3A_100 = arith.constant 0 : i32
        %dma_wait3A_101 = tpu.memref_slice %arg9[%dma_wait3A_99, %dma_wait3A_100] : memref<10000x128xf32, #tpu.memory_space<vmem_shared>> -> memref<10000x128xf32, #tpu.memory_space<vmem_shared>>
        tpu.wait_indirect_dma semaphore(%run_scoped3A_91 : memref<!tpu.dma_semaphore, #tpu.memory_space<semaphore_mem>>) src(%dma_wait3A_101 : memref<10000x128xf32, #tpu.memory_space<vmem_shared>>) dst(%arg8 : memref<64x128xf32, #tpu.memory_space<vmem>>)
        tpu.yield
      }) : () -> ()
      %mul3A_87 = arith.constant 2 : i32
      %mul3A_88 = arith.muli %mul3A_87, %and3A_79 : i32
      %add3A_89 = arith.constant 1 : i32
      %add3A_90 = arith.addi %mul3A_88, %add3A_89 : i32
      "tpu.region"() ({
        %run_scoped3A_91 = tpu.sem_alloc : memref<!tpu.dma_semaphore, #tpu.memory_space<semaphore_mem>>
        %dma_start3A = arith.constant 0 : i32
        %dma_start3A_92 = tpu.memref_slice %arg7[%add3A_90, %dma_start3A] : memref<8x64xi32, #tpu.memory_space<vmem>> -> memref<1x64xi32, #tpu.memory_space<vmem>>
        %dma_start3A_93 = tpu.memref_squeeze %dma_start3A_92 : memref<1x64xi32, #tpu.memory_space<vmem>> -> memref<64xi32, #tpu.memory_space<vmem>>
        %dma_start3A_94 = arith.constant 0 : i32
        %dma_start3A_95 = arith.constant 0 : i32
        %dma_start3A_96 = tpu.memref_slice %arg10[%dma_start3A_94, %dma_start3A_95] : memref<5128x128xf32, #tpu.memory_space<vmem_shared>> -> memref<5128x128xf32, #tpu.memory_space<vmem_shared>>
        tpu.enqueue_indirect_dma source(%arg8 : memref<64x128xf32, #tpu.memory_space<vmem>>) target(%dma_start3A_96 : memref<5128x128xf32, #tpu.memory_space<vmem_shared>>) offsets(%dma_start3A_93 : memref<64xi32, #tpu.memory_space<vmem>>) semaphore(%run_scoped3A_91 : memref<!tpu.dma_semaphore, #tpu.memory_space<semaphore_mem>>) {add = true}
        %dma_wait3A = arith.constant 0 : i32
        %dma_wait3A_97 = tpu.memref_slice %arg7[%add3A_90, %dma_wait3A] : memref<8x64xi32, #tpu.memory_space<vmem>> -> memref<1x64xi32, #tpu.memory_space<vmem>>
        %dma_wait3A_98 = tpu.memref_squeeze %dma_wait3A_97 : memref<1x64xi32, #tpu.memory_space<vmem>> -> memref<64xi32, #tpu.memory_space<vmem>>
        %dma_wait3A_99 = arith.constant 0 : i32
        %dma_wait3A_100 = arith.constant 0 : i32
        %dma_wait3A_101 = tpu.memref_slice %arg10[%dma_wait3A_99, %dma_wait3A_100] : memref<5128x128xf32, #tpu.memory_space<vmem_shared>> -> memref<5128x128xf32, #tpu.memory_space<vmem_shared>>
        tpu.wait_indirect_dma semaphore(%run_scoped3A_91 : memref<!tpu.dma_semaphore, #tpu.memory_space<semaphore_mem>>) src(%arg8 : memref<64x128xf32, #tpu.memory_space<vmem>>) dst(%dma_wait3A_101 : memref<5128x128xf32, #tpu.memory_space<vmem_shared>>)
        tpu.yield
      }) : () -> ()
    }
    %run_scoped3A_35 = arith.constant 1 : i32
    %run_scoped3A_36 = arith.constant 0 : i32
    "tpu.region"() ({
      %run_scoped3A_76 = tpu.sem_alloc : memref<!tpu.dma_semaphore, #tpu.memory_space<semaphore_mem>>
      %dma_start3A = arith.constant 0 : i32
      %dma_start3A_77 = tpu.memref_slice %arg7[%run_scoped3A_36, %dma_start3A] : memref<8x64xi32, #tpu.memory_space<vmem>> -> memref<1x64xi32, #tpu.memory_space<vmem>>
      %dma_start3A_78 = tpu.memref_squeeze %dma_start3A_77 : memref<1x64xi32, #tpu.memory_space<vmem>> -> memref<64xi32, #tpu.memory_space<vmem>>
      %dma_start3A_79 = arith.constant 0 : i32
      %dma_start3A_80 = tpu.memref_slice %arg4[%arg0, %run_scoped3A_35, %arg1, %dma_start3A_79] : memref<2x2x16x64xi32, #tpu.memory_space<hbm>> -> memref<1x1x1x64xi32, #tpu.memory_space<hbm>>
      %dma_start3A_81 = tpu.memref_squeeze %dma_start3A_80 : memref<1x1x1x64xi32, #tpu.memory_space<hbm>> -> memref<64xi32, #tpu.memory_space<hbm>>
      %dma_start3A_82 = arith.constant 0 : i32
      %dma_start3A_83 = tpu.memref_slice %arg7[%run_scoped3A_36, %dma_start3A_82] : memref<8x64xi32, #tpu.memory_space<vmem>> -> memref<1x64xi32, #tpu.memory_space<vmem>>
      %dma_start3A_84 = tpu.memref_squeeze %dma_start3A_83 : memref<1x64xi32, #tpu.memory_space<vmem>> -> memref<64xi32, #tpu.memory_space<vmem>>
      %dma_start3A_85 = arith.constant 0 : i32
      %dma_start3A_86 = tpu.memref_slice %arg4[%arg0, %run_scoped3A_35, %arg1, %dma_start3A_85] : memref<2x2x16x64xi32, #tpu.memory_space<hbm>> -> memref<1x1x1x64xi32, #tpu.memory_space<hbm>>
      %dma_start3A_87 = tpu.memref_squeeze %dma_start3A_86 : memref<1x1x1x64xi32, #tpu.memory_space<hbm>> -> memref<64xi32, #tpu.memory_space<hbm>>
      tpu.enqueue_dma source(%dma_start3A_87 : memref<64xi32, #tpu.memory_space<hbm>>) target(%dma_start3A_84 : memref<64xi32, #tpu.memory_space<vmem>>) target_semaphore(%run_scoped3A_76 : memref<!tpu.dma_semaphore, #tpu.memory_space<semaphore_mem>>)
      %dma_wait3A = arith.constant 0 : i32
      %dma_wait3A_88 = tpu.memref_slice %arg7[%run_scoped3A_36, %dma_wait3A] : memref<8x64xi32, #tpu.memory_space<vmem>> -> memref<1x64xi32, #tpu.memory_space<vmem>>
      %dma_wait3A_89 = tpu.memref_squeeze %dma_wait3A_88 : memref<1x64xi32, #tpu.memory_space<vmem>> -> memref<64xi32, #tpu.memory_space<vmem>>
      %dma_wait3A_90 = arith.constant 0 : i32
      %dma_wait3A_91 = tpu.memref_slice %arg4[%arg0, %run_scoped3A_35, %arg1, %dma_wait3A_90] : memref<2x2x16x64xi32, #tpu.memory_space<hbm>> -> memref<1x1x1x64xi32, #tpu.memory_space<hbm>>
      %dma_wait3A_92 = tpu.memref_squeeze %dma_wait3A_91 : memref<1x1x1x64xi32, #tpu.memory_space<hbm>> -> memref<64xi32, #tpu.memory_space<hbm>>
      %dma_wait3A_93 = arith.constant 0 : i32
      %dma_wait3A_94 = tpu.memref_slice %arg7[%run_scoped3A_36, %dma_wait3A_93] : memref<8x64xi32, #tpu.memory_space<vmem>> -> memref<1x64xi32, #tpu.memory_space<vmem>>
      %dma_wait3A_95 = tpu.memref_squeeze %dma_wait3A_94 : memref<1x64xi32, #tpu.memory_space<vmem>> -> memref<64xi32, #tpu.memory_space<vmem>>
      %dma_wait3A_96 = arith.constant 0 : i32
      %dma_wait3A_97 = tpu.memref_slice %arg4[%arg0, %run_scoped3A_35, %arg1, %dma_wait3A_96] : memref<2x2x16x64xi32, #tpu.memory_space<hbm>> -> memref<1x1x1x64xi32, #tpu.memory_space<hbm>>
      %dma_wait3A_98 = tpu.memref_squeeze %dma_wait3A_97 : memref<1x1x1x64xi32, #tpu.memory_space<hbm>> -> memref<64xi32, #tpu.memory_space<hbm>>
      tpu.wait_dma2 semaphore(%run_scoped3A_76 : memref<!tpu.dma_semaphore, #tpu.memory_space<semaphore_mem>>) src(%dma_wait3A_98 : memref<64xi32, #tpu.memory_space<hbm>>) dst(%dma_wait3A_95 : memref<64xi32, #tpu.memory_space<vmem>>)
      tpu.yield
    }) : () -> ()
    %get3A_37 = arith.constant 0 : i32
    %get3A_38 = arith.index_cast %get3A_37 : i32 to index
    %get3A_39 = arith.constant 0 : index
    %get3A_40 = tpu.vector_load %arg7[%get3A_38, %get3A_39] {strides = array<i32>} : memref<8x64xi32, #tpu.memory_space<vmem>>, vector<16xi32>,
    %reduce_max3A_41 = arith.constant true
    %reduce_max3A_42 = vector.broadcast %reduce_max3A_41 : i1 to vector<16xi1>
    %reduce_max3A_43 = arith.constant -2147483648 : i32
    %reduce_max3A_44 = vector.broadcast %reduce_max3A_43 : i32 to vector<16xi32>
    %reduce_max3A_45 = arith.xori %get3A_40, %reduce_max3A_44 : vector<16xi32>
    %reduce_max3A_46 = tpu.scan <max>, %reduce_max3A_45 masked %reduce_max3A_42 : vector<16xi32>, vector<16xi1> -> vector<16xi32>
    %reduce_max3A_47 = arith.xori %reduce_max3A_46, %reduce_max3A_44 : vector<16xi32>
    %reduce_max3A_48 = vector.extract %reduce_max3A_47[15] : i32 from vector<16xi32>
    %sub3A_49 = arith.constant 0 : i32
    %sub3A_50 = arith.subi %reduce_max3A_48, %sub3A_49 : i32
    %sub3A_51 = arith.constant 1 : i32
    %sub3A_52 = arith.constant 1 : i32
    %sub3A_53 = arith.subi %sub3A_51, %sub3A_52 : i32
    %add3A_54 = arith.addi %sub3A_50, %sub3A_53 : i32
    %div3A_55 = arith.constant 1 : i32
    %div3A_56 = arith.divsi %add3A_54, %div3A_55 : i32
    %while3A_57 = arith.constant 1 : i32
    %while3A_58 = arith.constant 0 : i32
    %while3A_59 = arith.constant 0 : i32
    %while3A_60 = arith.subi %div3A_56, %while3A_59 : i32
    %while3A_61 = arith.addi %while3A_59, %while3A_60 : i32
    %while3A_62 = arith.constant 1 : i32
    %while3A_63 = arith.divsi %while3A_60, %while3A_62 : i32
    %while3A_64 = arith.muli %while3A_63, %while3A_62 : i32
    %while3A_65 = arith.addi %while3A_59, %while3A_64 : i32
    %while3A_66 = arith.constant 1 : i32
    scf.for %while3A_76 = %while3A_59 to %while3A_65 step %while3A_66  : i32 {
      %mul3A_77 = arith.muli %while3A_76, %while3A_57 : i32
      %add3A_78 = arith.addi %while3A_58, %mul3A_77 : i32
      %and3A = arith.constant 3 : i32
      %and3A_79 = arith.andi %add3A_78, %and3A : i32
      %eq3A_80 = arith.constant 0 : i32
      %eq3A_81 = arith.cmpi eq, %and3A_79, %eq3A_80 : i32
      %convert_element_type3A_82 = arith.extui %eq3A_81 : i1 to i32
      %cond3A_83 = arith.constant 0 : i32
      %cond3A_84 = arith.cmpi ne, %convert_element_type3A_82, %cond3A_83 : i32
      scf.if %cond3A_84 {
        %shift_right_arithmetic3A = arith.constant 2 : i32
        %shift_right_arithmetic3A_91 = arith.shrsi %add3A_78, %shift_right_arithmetic3A : i32
        %mul3A_92 = arith.constant 8 : i32
        %mul3A_93 = arith.muli %shift_right_arithmetic3A_91, %mul3A_92 : i32
        %run_scoped3A_94 = arith.constant 1 : i32
        "tpu.region"() ({
          %run_scoped3A_95 = tpu.sem_alloc : memref<!tpu.dma_semaphore, #tpu.memory_space<semaphore_mem>>
          %dma_start3A = arith.constant 0 : i32
          %dma_start3A_96 = tpu.memref_slice %arg3[%arg0, %run_scoped3A_94, %arg1, %mul3A_93, %dma_start3A] : memref<2x2x16x320x64xi32, #tpu.memory_space<hbm>> -> memref<1x1x1x8x64xi32, #tpu.memory_space<hbm>>
          %dma_start3A_97 = tpu.memref_squeeze %dma_start3A_96 : memref<1x1x1x8x64xi32, #tpu.memory_space<hbm>> -> memref<8x64xi32, #tpu.memory_space<hbm>>
          %dma_start3A_98 = arith.constant 0 : i32
          %dma_start3A_99 = tpu.memref_slice %arg3[%arg0, %run_scoped3A_94, %arg1, %mul3A_93, %dma_start3A_98] : memref<2x2x16x320x64xi32, #tpu.memory_space<hbm>> -> memref<1x1x1x8x64xi32, #tpu.memory_space<hbm>>
          %dma_start3A_100 = tpu.memref_squeeze %dma_start3A_99 : memref<1x1x1x8x64xi32, #tpu.memory_space<hbm>> -> memref<8x64xi32, #tpu.memory_space<hbm>>
          tpu.enqueue_dma source(%dma_start3A_100 : memref<8x64xi32, #tpu.memory_space<hbm>>) target(%arg7 : memref<8x64xi32, #tpu.memory_space<vmem>>) target_semaphore(%run_scoped3A_95 : memref<!tpu.dma_semaphore, #tpu.memory_space<semaphore_mem>>)
          %dma_wait3A = arith.constant 0 : i32
          %dma_wait3A_101 = tpu.memref_slice %arg3[%arg0, %run_scoped3A_94, %arg1, %mul3A_93, %dma_wait3A] : memref<2x2x16x320x64xi32, #tpu.memory_space<hbm>> -> memref<1x1x1x8x64xi32, #tpu.memory_space<hbm>>
          %dma_wait3A_102 = tpu.memref_squeeze %dma_wait3A_101 : memref<1x1x1x8x64xi32, #tpu.memory_space<hbm>> -> memref<8x64xi32, #tpu.memory_space<hbm>>
          %dma_wait3A_103 = arith.constant 0 : i32
          %dma_wait3A_104 = tpu.memref_slice %arg3[%arg0, %run_scoped3A_94, %arg1, %mul3A_93, %dma_wait3A_103] : memref<2x2x16x320x64xi32, #tpu.memory_space<hbm>> -> memref<1x1x1x8x64xi32, #tpu.memory_space<hbm>>
          %dma_wait3A_105 = tpu.memref_squeeze %dma_wait3A_104 : memref<1x1x1x8x64xi32, #tpu.memory_space<hbm>> -> memref<8x64xi32, #tpu.memory_space<hbm>>
          tpu.wait_dma2 semaphore(%run_scoped3A_95 : memref<!tpu.dma_semaphore, #tpu.memory_space<semaphore_mem>>) src(%dma_wait3A_105 : memref<8x64xi32, #tpu.memory_space<hbm>>) dst(%arg7 : memref<8x64xi32, #tpu.memory_space<vmem>>)
          tpu.yield
        }) : () -> ()
      } else {
      }
      %mul3A_85 = arith.constant 2 : i32
      %mul3A_86 = arith.muli %mul3A_85, %and3A_79 : i32
      "tpu.region"() ({
        %run_scoped3A_91 = tpu.sem_alloc : memref<!tpu.dma_semaphore, #tpu.memory_space<semaphore_mem>>
        %dma_start3A = arith.constant 0 : i32
        %dma_start3A_92 = tpu.memref_slice %arg7[%mul3A_86, %dma_start3A] : memref<8x64xi32, #tpu.memory_space<vmem>> -> memref<1x64xi32, #tpu.memory_space<vmem>>
        %dma_start3A_93 = tpu.memref_squeeze %dma_start3A_92 : memref<1x64xi32, #tpu.memory_space<vmem>> -> memref<64xi32, #tpu.memory_space<vmem>>
        %dma_start3A_94 = arith.constant 0 : i32
        %dma_start3A_95 = arith.constant 0 : i32
        %dma_start3A_96 = tpu.memref_slice %arg9[%dma_start3A_94, %dma_start3A_95] : memref<10000x128xf32, #tpu.memory_space<vmem_shared>> -> memref<10000x128xf32, #tpu.memory_space<vmem_shared>>
        tpu.enqueue_indirect_dma source(%dma_start3A_96 : memref<10000x128xf32, #tpu.memory_space<vmem_shared>>) target(%arg8 : memref<64x128xf32, #tpu.memory_space<vmem>>) offsets(%dma_start3A_93 : memref<64xi32, #tpu.memory_space<vmem>>) semaphore(%run_scoped3A_91 : memref<!tpu.dma_semaphore, #tpu.memory_space<semaphore_mem>>)
        %dma_wait3A = arith.constant 0 : i32
        %dma_wait3A_97 = tpu.memref_slice %arg7[%mul3A_86, %dma_wait3A] : memref<8x64xi32, #tpu.memory_space<vmem>> -> memref<1x64xi32, #tpu.memory_space<vmem>>
        %dma_wait3A_98 = tpu.memref_squeeze %dma_wait3A_97 : memref<1x64xi32, #tpu.memory_space<vmem>> -> memref<64xi32, #tpu.memory_space<vmem>>
        %dma_wait3A_99 = arith.constant 0 : i32
        %dma_wait3A_100 = arith.constant 0 : i32
        %dma_wait3A_101 = tpu.memref_slice %arg9[%dma_wait3A_99, %dma_wait3A_100] : memref<10000x128xf32, #tpu.memory_space<vmem_shared>> -> memref<10000x128xf32, #tpu.memory_space<vmem_shared>>
        tpu.wait_indirect_dma semaphore(%run_scoped3A_91 : memref<!tpu.dma_semaphore, #tpu.memory_space<semaphore_mem>>) src(%dma_wait3A_101 : memref<10000x128xf32, #tpu.memory_space<vmem_shared>>) dst(%arg8 : memref<64x128xf32, #tpu.memory_space<vmem>>)
        tpu.yield
      }) : () -> ()
      %mul3A_87 = arith.constant 2 : i32
      %mul3A_88 = arith.muli %mul3A_87, %and3A_79 : i32
      %add3A_89 = arith.constant 1 : i32
      %add3A_90 = arith.addi %mul3A_88, %add3A_89 : i32
      "tpu.region"() ({
        %run_scoped3A_91 = tpu.sem_alloc : memref<!tpu.dma_semaphore, #tpu.memory_space<semaphore_mem>>
        %dma_start3A = arith.constant 0 : i32
        %dma_start3A_92 = tpu.memref_slice %arg7[%add3A_90, %dma_start3A] : memref<8x64xi32, #tpu.memory_space<vmem>> -> memref<1x64xi32, #tpu.memory_space<vmem>>
        %dma_start3A_93 = tpu.memref_squeeze %dma_start3A_92 : memref<1x64xi32, #tpu.memory_space<vmem>> -> memref<64xi32, #tpu.memory_space<vmem>>
        %dma_start3A_94 = arith.constant 0 : i32
        %dma_start3A_95 = arith.constant 0 : i32
        %dma_start3A_96 = tpu.memref_slice %arg10[%dma_start3A_94, %dma_start3A_95] : memref<5128x128xf32, #tpu.memory_space<vmem_shared>> -> memref<5128x128xf32, #tpu.memory_space<vmem_shared>>
        tpu.enqueue_indirect_dma source(%arg8 : memref<64x128xf32, #tpu.memory_space<vmem>>) target(%dma_start3A_96 : memref<5128x128xf32, #tpu.memory_space<vmem_shared>>) offsets(%dma_start3A_93 : memref<64xi32, #tpu.memory_space<vmem>>) semaphore(%run_scoped3A_91 : memref<!tpu.dma_semaphore, #tpu.memory_space<semaphore_mem>>) {add = true}
        %dma_wait3A = arith.constant 0 : i32
        %dma_wait3A_97 = tpu.memref_slice %arg7[%add3A_90, %dma_wait3A] : memref<8x64xi32, #tpu.memory_space<vmem>> -> memref<1x64xi32, #tpu.memory_space<vmem>>
        %dma_wait3A_98 = tpu.memref_squeeze %dma_wait3A_97 : memref<1x64xi32, #tpu.memory_space<vmem>> -> memref<64xi32, #tpu.memory_space<vmem>>
        %dma_wait3A_99 = arith.constant 0 : i32
        %dma_wait3A_100 = arith.constant 0 : i32
        %dma_wait3A_101 = tpu.memref_slice %arg10[%dma_wait3A_99, %dma_wait3A_100] : memref<5128x128xf32, #tpu.memory_space<vmem_shared>> -> memref<5128x128xf32, #tpu.memory_space<vmem_shared>>
        tpu.wait_indirect_dma semaphore(%run_scoped3A_91 : memref<!tpu.dma_semaphore, #tpu.memory_space<semaphore_mem>>) src(%arg8 : memref<64x128xf32, #tpu.memory_space<vmem>>) dst(%dma_wait3A_101 : memref<5128x128xf32, #tpu.memory_space<vmem_shared>>)
        tpu.yield
      }) : () -> ()
    }
    %while3A_67 = arith.constant 1 : i32
    scf.for %while3A_76 = %while3A_65 to %while3A_61 step %while3A_67  : i32 {
      %mul3A_77 = arith.muli %while3A_76, %while3A_57 : i32
      %add3A_78 = arith.addi %while3A_58, %mul3A_77 : i32
      %and3A = arith.constant 3 : i32
      %and3A_79 = arith.andi %add3A_78, %and3A : i32
      %eq3A_80 = arith.constant 0 : i32
      %eq3A_81 = arith.cmpi eq, %and3A_79, %eq3A_80 : i32
      %convert_element_type3A_82 = arith.extui %eq3A_81 : i1 to i32
      %cond3A_83 = arith.constant 0 : i32
      %cond3A_84 = arith.cmpi ne, %convert_element_type3A_82, %cond3A_83 : i32
      scf.if %cond3A_84 {
        %shift_right_arithmetic3A = arith.constant 2 : i32
        %shift_right_arithmetic3A_91 = arith.shrsi %add3A_78, %shift_right_arithmetic3A : i32
        %mul3A_92 = arith.constant 8 : i32
        %mul3A_93 = arith.muli %shift_right_arithmetic3A_91, %mul3A_92 : i32
        %run_scoped3A_94 = arith.constant 1 : i32
        "tpu.region"() ({
          %run_scoped3A_95 = tpu.sem_alloc : memref<!tpu.dma_semaphore, #tpu.memory_space<semaphore_mem>>
          %dma_start3A = arith.constant 0 : i32
          %dma_start3A_96 = tpu.memref_slice %arg3[%arg0, %run_scoped3A_94, %arg1, %mul3A_93, %dma_start3A] : memref<2x2x16x320x64xi32, #tpu.memory_space<hbm>> -> memref<1x1x1x8x64xi32, #tpu.memory_space<hbm>>
          %dma_start3A_97 = tpu.memref_squeeze %dma_start3A_96 : memref<1x1x1x8x64xi32, #tpu.memory_space<hbm>> -> memref<8x64xi32, #tpu.memory_space<hbm>>
          %dma_start3A_98 = arith.constant 0 : i32
          %dma_start3A_99 = tpu.memref_slice %arg3[%arg0, %run_scoped3A_94, %arg1, %mul3A_93, %dma_start3A_98] : memref<2x2x16x320x64xi32, #tpu.memory_space<hbm>> -> memref<1x1x1x8x64xi32, #tpu.memory_space<hbm>>
          %dma_start3A_100 = tpu.memref_squeeze %dma_start3A_99 : memref<1x1x1x8x64xi32, #tpu.memory_space<hbm>> -> memref<8x64xi32, #tpu.memory_space<hbm>>
          tpu.enqueue_dma source(%dma_start3A_100 : memref<8x64xi32, #tpu.memory_space<hbm>>) target(%arg7 : memref<8x64xi32, #tpu.memory_space<vmem>>) target_semaphore(%run_scoped3A_95 : memref<!tpu.dma_semaphore, #tpu.memory_space<semaphore_mem>>)
          %dma_wait3A = arith.constant 0 : i32
          %dma_wait3A_101 = tpu.memref_slice %arg3[%arg0, %run_scoped3A_94, %arg1, %mul3A_93, %dma_wait3A] : memref<2x2x16x320x64xi32, #tpu.memory_space<hbm>> -> memref<1x1x1x8x64xi32, #tpu.memory_space<hbm>>
          %dma_wait3A_102 = tpu.memref_squeeze %dma_wait3A_101 : memref<1x1x1x8x64xi32, #tpu.memory_space<hbm>> -> memref<8x64xi32, #tpu.memory_space<hbm>>
          %dma_wait3A_103 = arith.constant 0 : i32
          %dma_wait3A_104 = tpu.memref_slice %arg3[%arg0, %run_scoped3A_94, %arg1, %mul3A_93, %dma_wait3A_103] : memref<2x2x16x320x64xi32, #tpu.memory_space<hbm>> -> memref<1x1x1x8x64xi32, #tpu.memory_space<hbm>>
          %dma_wait3A_105 = tpu.memref_squeeze %dma_wait3A_104 : memref<1x1x1x8x64xi32, #tpu.memory_space<hbm>> -> memref<8x64xi32, #tpu.memory_space<hbm>>
          tpu.wait_dma2 semaphore(%run_scoped3A_95 : memref<!tpu.dma_semaphore, #tpu.memory_space<semaphore_mem>>) src(%dma_wait3A_105 : memref<8x64xi32, #tpu.memory_space<hbm>>) dst(%arg7 : memref<8x64xi32, #tpu.memory_space<vmem>>)
          tpu.yield
        }) : () -> ()
      } else {
      }
      %mul3A_85 = arith.constant 2 : i32
      %mul3A_86 = arith.muli %mul3A_85, %and3A_79 : i32
      "tpu.region"() ({
        %run_scoped3A_91 = tpu.sem_alloc : memref<!tpu.dma_semaphore, #tpu.memory_space<semaphore_mem>>
        %dma_start3A = arith.constant 0 : i32
        %dma_start3A_92 = tpu.memref_slice %arg7[%mul3A_86, %dma_start3A] : memref<8x64xi32, #tpu.memory_space<vmem>> -> memref<1x64xi32, #tpu.memory_space<vmem>>
        %dma_start3A_93 = tpu.memref_squeeze %dma_start3A_92 : memref<1x64xi32, #tpu.memory_space<vmem>> -> memref<64xi32, #tpu.memory_space<vmem>>
        %dma_start3A_94 = arith.constant 0 : i32
        %dma_start3A_95 = arith.constant 0 : i32
        %dma_start3A_96 = tpu.memref_slice %arg9[%dma_start3A_94, %dma_start3A_95] : memref<10000x128xf32, #tpu.memory_space<vmem_shared>> -> memref<10000x128xf32, #tpu.memory_space<vmem_shared>>
        tpu.enqueue_indirect_dma source(%dma_start3A_96 : memref<10000x128xf32, #tpu.memory_space<vmem_shared>>) target(%arg8 : memref<64x128xf32, #tpu.memory_space<vmem>>) offsets(%dma_start3A_93 : memref<64xi32, #tpu.memory_space<vmem>>) semaphore(%run_scoped3A_91 : memref<!tpu.dma_semaphore, #tpu.memory_space<semaphore_mem>>)
        %dma_wait3A = arith.constant 0 : i32
        %dma_wait3A_97 = tpu.memref_slice %arg7[%mul3A_86, %dma_wait3A] : memref<8x64xi32, #tpu.memory_space<vmem>> -> memref<1x64xi32, #tpu.memory_space<vmem>>
        %dma_wait3A_98 = tpu.memref_squeeze %dma_wait3A_97 : memref<1x64xi32, #tpu.memory_space<vmem>> -> memref<64xi32, #tpu.memory_space<vmem>>
        %dma_wait3A_99 = arith.constant 0 : i32
        %dma_wait3A_100 = arith.constant 0 : i32
        %dma_wait3A_101 = tpu.memref_slice %arg9[%dma_wait3A_99, %dma_wait3A_100] : memref<10000x128xf32, #tpu.memory_space<vmem_shared>> -> memref<10000x128xf32, #tpu.memory_space<vmem_shared>>
        tpu.wait_indirect_dma semaphore(%run_scoped3A_91 : memref<!tpu.dma_semaphore, #tpu.memory_space<semaphore_mem>>) src(%dma_wait3A_101 : memref<10000x128xf32, #tpu.memory_space<vmem_shared>>) dst(%arg8 : memref<64x128xf32, #tpu.memory_space<vmem>>)
        tpu.yield
      }) : () -> ()
      %mul3A_87 = arith.constant 2 : i32
      %mul3A_88 = arith.muli %mul3A_87, %and3A_79 : i32
      %add3A_89 = arith.constant 1 : i32
      %add3A_90 = arith.addi %mul3A_88, %add3A_89 : i32
      "tpu.region"() ({
        %run_scoped3A_91 = tpu.sem_alloc : memref<!tpu.dma_semaphore, #tpu.memory_space<semaphore_mem>>
        %dma_start3A = arith.constant 0 : i32
        %dma_start3A_92 = tpu.memref_slice %arg7[%add3A_90, %dma_start3A] : memref<8x64xi32, #tpu.memory_space<vmem>> -> memref<1x64xi32, #tpu.memory_space<vmem>>
        %dma_start3A_93 = tpu.memref_squeeze %dma_start3A_92 : memref<1x64xi32, #tpu.memory_space<vmem>> -> memref<64xi32, #tpu.memory_space<vmem>>
        %dma_start3A_94 = arith.constant 0 : i32
        %dma_start3A_95 = arith.constant 0 : i32
        %dma_start3A_96 = tpu.memref_slice %arg10[%dma_start3A_94, %dma_start3A_95] : memref<5128x128xf32, #tpu.memory_space<vmem_shared>> -> memref<5128x128xf32, #tpu.memory_space<vmem_shared>>
        tpu.enqueue_indirect_dma source(%arg8 : memref<64x128xf32, #tpu.memory_space<vmem>>) target(%dma_start3A_96 : memref<5128x128xf32, #tpu.memory_space<vmem_shared>>) offsets(%dma_start3A_93 : memref<64xi32, #tpu.memory_space<vmem>>) semaphore(%run_scoped3A_91 : memref<!tpu.dma_semaphore, #tpu.memory_space<semaphore_mem>>) {add = true}
        %dma_wait3A = arith.constant 0 : i32
        %dma_wait3A_97 = tpu.memref_slice %arg7[%add3A_90, %dma_wait3A] : memref<8x64xi32, #tpu.memory_space<vmem>> -> memref<1x64xi32, #tpu.memory_space<vmem>>
        %dma_wait3A_98 = tpu.memref_squeeze %dma_wait3A_97 : memref<1x64xi32, #tpu.memory_space<vmem>> -> memref<64xi32, #tpu.memory_space<vmem>>
        %dma_wait3A_99 = arith.constant 0 : i32
        %dma_wait3A_100 = arith.constant 0 : i32
        %dma_wait3A_101 = tpu.memref_slice %arg10[%dma_wait3A_99, %dma_wait3A_100] : memref<5128x128xf32, #tpu.memory_space<vmem_shared>> -> memref<5128x128xf32, #tpu.memory_space<vmem_shared>>
        tpu.wait_indirect_dma semaphore(%run_scoped3A_91 : memref<!tpu.dma_semaphore, #tpu.memory_space<semaphore_mem>>) src(%arg8 : memref<64x128xf32, #tpu.memory_space<vmem>>) dst(%dma_wait3A_101 : memref<5128x128xf32, #tpu.memory_space<vmem_shared>>)
        tpu.yield
      }) : () -> ()
    }
    %barrier3A_68 = arith.constant 0 : index
    tpu.barrier barrier_id(%barrier3A_68)
    %mul3A_69 = arith.constant 320 : i32
    %mul3A_70 = arith.muli %arg1, %mul3A_69 : i32
    %mul3A_71 = arith.constant 5120 : i32
    %mul3A_72 = arith.muli %arg0, %mul3A_71 : i32
    %mul3A_73 = arith.constant 320 : i32
    %mul3A_74 = arith.muli %arg1, %mul3A_73 : i32
    %add3A_75 = arith.addi %mul3A_72, %mul3A_74 : i32
    "tpu.region"() ({
      %run_scoped3A_76 = tpu.sem_alloc : memref<!tpu.dma_semaphore, #tpu.memory_space<semaphore_mem>>
      %dma_start3A = arith.constant 0 : i32
      %dma_start3A_77 = tpu.memref_slice %arg6[%add3A_75, %dma_start3A] : memref<10240x128xf32, #tpu.memory_space<hbm>> -> memref<320x128xf32, #tpu.memory_space<hbm>>
      %dma_start3A_78 = arith.constant 0 : i32
      %dma_start3A_79 = tpu.memref_slice %arg10[%mul3A_70, %dma_start3A_78] : memref<5128x128xf32, #tpu.memory_space<vmem_shared>> -> memref<320x128xf32, #tpu.memory_space<vmem_shared>>
      tpu.enqueue_dma source(%dma_start3A_79 : memref<320x128xf32, #tpu.memory_space<vmem_shared>>) target(%dma_start3A_77 : memref<320x128xf32, #tpu.memory_space<hbm>>) target_semaphore(%run_scoped3A_76 : memref<!tpu.dma_semaphore, #tpu.memory_space<semaphore_mem>>)
      %dma_wait3A = arith.constant 0 : i32
      %dma_wait3A_80 = tpu.memref_slice %arg6[%add3A_75, %dma_wait3A] : memref<10240x128xf32, #tpu.memory_space<hbm>> -> memref<320x128xf32, #tpu.memory_space<hbm>>
      %dma_wait3A_81 = arith.constant 0 : i32
      %dma_wait3A_82 = tpu.memref_slice %arg10[%mul3A_70, %dma_wait3A_81] : memref<5128x128xf32, #tpu.memory_space<vmem_shared>> -> memref<320x128xf32, #tpu.memory_space<vmem_shared>>
      tpu.wait_dma2 semaphore(%run_scoped3A_76 : memref<!tpu.dma_semaphore, #tpu.memory_space<semaphore_mem>>) src(%dma_wait3A_82 : memref<320x128xf32, #tpu.memory_space<vmem_shared>>) dst(%dma_wait3A_80 : memref<320x128xf32, #tpu.memory_space<hbm>>)
      tpu.yield
    }) : () -> ()
    return
  }
}

module attributes {stable_mosaic.version = 14 : i64} {
  func.func @mm_kernel(%arg0: i32, %arg1: memref<1000x128xf32, #tpu.memory_space<vmem>>, %arg2: memref<1000x128xf32, #tpu.memory_space<vmem>>, %arg3: memref<128x128xf32, #tpu.memory_space<vmem>>, %arg4: memref<1000x128xf32, #tpu.memory_space<vmem>>) attributes {dimension_semantics = [#tpu.dimension_semantics<arbitrary>], iteration_bounds = array<i64: 10>, scalar_prefetch = 0 : i64, scratch_operands = 0 : i64, tpu.core_type = #tpu.core_type<tc>, window_params = [{transform_indices = @transform_0, window_bounds = array<i64: 1000, 128>}, {transform_indices = @transform_1, window_bounds = array<i64: 1000, 128>}, {pipeline_mode = #tpu.pipeline_mode<synchronous>, transform_indices = @transform_2, window_bounds = array<i64: 128, 128>}, {transform_indices = @transform_3, window_bounds = array<i64: 1000, 128>}]} {
    %get3A = arith.constant 0 : index
    %get3A_0 = arith.constant 0 : index
    %get3A_1 = vector.load %arg1[%get3A, %get3A_0] : memref<1000x128xf32, #tpu.memory_space<vmem>>, vector<1000x128xf32>
    %get3A_2 = arith.constant 0 : index
    %get3A_3 = arith.constant 0 : index
    %get3A_4 = vector.load %arg2[%get3A_2, %get3A_3] : memref<1000x128xf32, #tpu.memory_space<vmem>>, vector<1000x128xf32>
    %add3A = arith.addf %get3A_1, %get3A_4 : vector<1000x128xf32>
    %get3A_5 = arith.constant 0 : index
    %get3A_6 = arith.constant 0 : index
    %get3A_7 = vector.load %arg3[%get3A_5, %get3A_6] : memref<128x128xf32, #tpu.memory_space<vmem>>, vector<128x128xf32>
    %dot_general3A = arith.constant dense<0.000000e+00> : vector<1000x128xf32>
    %dot_general3A_8 = tpu.matmul %add3A, %get3A_7, %dot_general3A {dimension_numbers = #tpu.dot_dimension_numbers<[1], [0], [0], [1], [0, 0, 1, 1], [], []>, transpose_lhs_hint = false} : vector<1000x128xf32>, vector<128x128xf32>, vector<1000x128xf32> -> vector<1000x128xf32>
    %swap3A = arith.constant 0 : index
    %swap3A_9 = arith.constant 0 : index
    %swap3A_10 = vector.load %arg4[%swap3A, %swap3A_9] : memref<1000x128xf32, #tpu.memory_space<vmem>>, vector<1000x128xf32>
    tpu.vector_store %arg4[%swap3A, %swap3A_9], %dot_general3A_8 {strides = array<i32>} : memref<1000x128xf32, #tpu.memory_space<vmem>>, vector<1000x128xf32>,
    return
  }
  func.func @transform_0(%arg0: i32) -> (i32, i32) {
    %c0_i32 = arith.constant 0 : i32
    %c0_i32_0 = arith.constant 0 : i32
    return %arg0, %c0_i32 : i32, i32
  }
  func.func @transform_1(%arg0: i32) -> (i32, i32) {
    %c0_i32 = arith.constant 0 : i32
    %c0_i32_0 = arith.constant 0 : i32
    return %arg0, %c0_i32 : i32, i32
  }
  func.func @transform_2(%arg0: i32) -> (i32, i32) {
    %c0_i32 = arith.constant 0 : i32
    %c0_i32_0 = arith.constant 0 : i32
    %c0_i32_1 = arith.constant 0 : i32
    return %c0_i32, %c0_i32_0 : i32, i32
  }
  func.func @transform_3(%arg0: i32) -> (i32, i32) {
    %c0_i32 = arith.constant 0 : i32
    %c0_i32_0 = arith.constant 0 : i32
    return %arg0, %c0_i32 : i32, i32
  }
}

</mosaic_0001>

<sc_bundles>
// kernel: kernel.5.cloned.1.call-start
scs
__scs_entry_jumppad:
0x0: {  	(pc) =	sbr.rel $0x88, $3  }
0x1: {  	(tag) =	ssettag $0x0;
	lr =	simm.s32 $0x1  }
0x2: {  	[smem:$0x3F9E] =	sst lr;
	_ =	strace $0xD0000000  }
0x3: {  	_ = 	snop  }
0x4: {  	_ = 	snop  }
0x5: {  	_ = 	snop  }
0x6: {  	_ = 	snop  }
0x7: {  	_ = 	snop  }
__scs_overlays_trampoline_lowered:
0x8: {  	[smem:$0x3FAD] =	sst s0  }
0x9: {  	[smem:$0x3FAE] =	sst s1  }
0xa: {  	[smem:$0x3FAF] =	sst s2  }
0xb: {  	[smem:$0x3FB0] =	sst s3  }
0xc: {  	[smem:$0x3FB1] =	sst s4  }
0xd: {  	[smem:$0x3FB2] =	sst s5  }
0xe: {  	[smem:$0x3FB3] =	sst s6  }
0xf: {  	[smem:$0x3FB4] =	sst s7  }
0x10: {  	[smem:$0x3FB5] =	sst s8  }
0x11: {  	[smem:$0x3FB6] =	sst s9;
	s0 =	simm.s32 @!p0 $0x0  }
0x12: {  	s1 =	sld [smem:$0x3F9C];
	s0 =	simm.s32 @p0 $0x1  }
0x13: {  	[smem:$0x3FB7] =	sst s0;
	s0 =	simm.s32 @!p1 $0x0  }
0x14: {  	s2 =	sld [smem:$0x3F9B];
	s0 =	simm.s32 @p1 $0x1  }
0x15: {  	[smem:$0x3FB8] =	sst s0;
	s0 =	simm.s32 @!p2 $0x0  }
0x16: {  	s3 =	sld [smem:$0x3FDB];
	s0 =	simm.s32 @p2 $0x1  }
0x17: {  	s4 =	simm.s32 $0x1BF5;
	[smem:$0x3FBA] =	sst s0  }
0x18: {  	s0 =	sld [smem:$0x3F9D];
	_ =	swait.ge [sflag:s4], $0x0  }
0x19: {  	s7 =	sld [smem:$0x3F9E]  }
0x1a: {  	s8 =	sadd.s32 $0xFFFFE003, lr  }
0x1b: {  	s9 =	sadd.s32 $0xFFFFFEF7, lr;
	s5 =	simm.s32 $0xFFFFFFFF;
	p2 =	slt.u32 s8, $0xFFFFF086  }
0x1c: {  	p1 =	slt.u32 s9, $0xF7A;
	s5 =	simm.s32 @!p2 $0x0  }
0x1d: {  	s5 =	simm.s32 @p1 $0x1;
	p0 =	seq.s32 s7, s2  }
0x1e: {  	s7 =	smul.u32 @!p0 $0xF7A, s2;
	p2 =	seq.s32 @!p0 s5, $0x0  }
0x1f: {  	s9 =	smul.u32 $0xF7A, s1;
	s8 =	simm.s32 @!p0 $0x1BF5;
	p2 =	por !p2, p0  }
0x20: {  	[sflag:s8] =	ssyncset.s32 @!p0 $0xFFFFF086;
	s6 =	sadd.s32 @!p0 s3, s7;
	s7 =	simm.s32 @!p0 $0x108  }
0x21: {  	s3 =	sadd.s32 s3, s9;
	s6 =	sadd.s32 @!p0 $0x88, s6;
	s7 =	simm.s32 @p2 $0x1082  }
0x22: {  	[simem:s7], [sflag:s8] =	dma.local @!p0 [hbm:s6], $0xF7A  }
0x23: {  	s9 =	sor.u32 $0xD0000000, s2;
	s6 =	simm.s32 $0x108;
	_ =	swait.ge @!p0 [sflag:s8], $0x0  }
0x24: {  	s3 =	sadd.s32 $0x88, s3;
	s6 =	simm.s32 @!p1 $0x1082;
	[sflag:s4] =	ssyncset.s32 $0xFFFFF086  }
0x25: {  	[simem:s6], [sflag:s4] =	dma.local [hbm:s3], $0xF7A  }
0x26: {  	[smem:$0x3F9E] =	sst s1;
	(tag) =	ssettag s2;
	_ =	strace s9  }
0x27: {  	s1 =	sld [smem:$0x3FAE]  }
0x28: {  	s2 =	sld [smem:$0x3FAF]  }
0x29: {  	s4 =	sld [smem:$0x3FB1]  }
0x2a: {  	p0 =	seq.s32 s5, $0x0;
	s5 =	sld [smem:$0x3FB2]  }
0x2b: {  	s6 =	sld [smem:$0x3FB3]  }
0x2c: {  	s7 =	sld [smem:$0x3FB4]  }
0x2d: {  	s3 =	simm.s32 $0x108;
	s8 =	sld [smem:$0x3FB5]  }
0x2e: {  	s3 =	simm.s32 @!p0 $0x1082;
	s9 =	sld [smem:$0x3FB6]  }
0x2f: {  	lr =	sadd.s32 s0, s3;
	s0 =	sld [smem:$0x3FAD]  }
0x30: {  	s3 =	sld [smem:$0x3FB0]  }
0x31: {  	[smem:$0x3FB9] =	sst s10  }
0x32: {  	s10 =	sld [smem:$0x3FB7];
	_ =	sdelay $0x3  }
0x33: {  	p0 =	seq.s32 s10, $0x1;
	s10 =	sld [smem:$0x3FB9];
	_ =	sdelay $0x3  }
0x34: {  	[smem:$0x3FB9] =	sst s10  }
0x35: {  	s10 =	sld [smem:$0x3FB8];
	_ =	sdelay $0x3  }
0x36: {  	p1 =	seq.s32 s10, $0x1;
	s10 =	sld [smem:$0x3FB9];
	_ =	sdelay $0x3  }
0x37: {  	[smem:$0x3FB9] =	sst s10  }
0x38: {  	s10 =	sld [smem:$0x3FBA]  }
0x39: {  	_ = 	snop;
	(pc) =	sbr.ind lr, $3  }
0x3a: {  	_ = 	snop  }
0x3b: {  	_ = 	snop  }
0x3c: {  	p2 =	seq.s32 s10, $0x1;
	s10 =	sld [smem:$0x3FB9]  }
0x3d: {  	_ =	shalt  }
0x3e: {  	_ =	shalt  }
0x3f: {  	_ =	shalt  }
0x40: {  	_ =	shalt  }
0x41: {  	_ =	shalt  }
0x42: {  	_ =	shalt  }
0x43: {  	_ =	shalt  }
0x44: {  	_ =	shalt  }
0x45: {  	_ =	shalt  }
0x46: {  	_ =	shalt  }
0x47: {  	_ =	shalt  }
0x48: {  	_ =	shalt  }
0x49: {  	_ =	shalt  }
0x4a: {  	_ =	shalt  }
0x4b: {  	_ =	shalt  }
0x4c: {  	_ =	shalt  }
0x4d: {  	_ =	shalt  }
0x4e: {  	_ =	shalt  }
0x4f: {  	_ =	shalt  }
0x50: {  	_ =	shalt  }
0x51: {  	_ =	shalt  }
0x52: {  	_ =	shalt  }
0x53: {  	_ =	shalt  }
0x54: {  	_ =	shalt  }
0x55: {  	_ =	shalt  }
0x56: {  	_ =	shalt  }
0x57: {  	_ =	shalt  }
0x58: {  	_ =	shalt  }
0x59: {  	_ =	shalt  }
0x5a: {  	_ =	shalt  }
0x5b: {  	_ =	shalt  }
0x5c: {  	_ =	shalt  }
0x5d: {  	_ =	shalt  }
0x5e: {  	_ =	shalt  }
0x5f: {  	_ =	shalt  }
0x60: {  	_ =	shalt  }
0x61: {  	_ =	shalt  }
0x62: {  	_ =	shalt  }
0x63: {  	_ =	shalt  }
0x64: {  	_ =	shalt  }
0x65: {  	_ =	shalt  }
0x66: {  	_ =	shalt  }
0x67: {  	_ =	shalt  }
0x68: {  	_ =	shalt  }
0x69: {  	_ =	shalt  }
0x6a: {  	_ =	shalt  }
0x6b: {  	_ =	shalt  }
0x6c: {  	_ =	shalt  }
0x6d: {  	_ =	shalt  }
0x6e: {  	_ =	shalt  }
0x6f: {  	_ =	shalt  }
0x70: {  	_ =	shalt  }
0x71: {  	_ =	shalt  }
0x72: {  	_ =	shalt  }
0x73: {  	_ =	shalt  }
0x74: {  	_ =	shalt  }
0x75: {  	_ =	shalt  }
0x76: {  	_ =	shalt  }
0x77: {  	_ =	shalt  }
0x78: {  	_ =	shalt  }
0x79: {  	_ =	shalt  }
0x7a: {  	_ =	shalt  }
0x7b: {  	_ =	shalt  }
0x7c: {  	_ =	shalt  }
0x7d: {  	_ =	shalt  }
0x7e: {  	_ =	shalt  }
0x7f: {  	_ =	shalt  }
0x80: {  	_ =	shalt  }
0x81: {  	_ =	shalt  }
0x82: {  	_ =	shalt  }
0x83: {  	_ =	shalt  }
0x84: {  	_ =	shalt  }
0x85: {  	_ =	shalt  }
0x86: {  	_ =	shalt  }
0x87: {  	_ =	shalt  }
.Lfunc_end0:
.L_simem_size_0:
called_computation_lowered:
.L_overlay_start_0:
0x88: {  	s2 =	sld [smem:$0x3FD9]  }
0x89: {  	s3 =	sld [smem:$0x3FFE];
	_ =	sdelay $0x1  }
0x8a: {  	s1 =	srdreg.scid  }
0x8b: {  	s0 =	sand.u32 $0x1, s1  }
0x8c: {  	s17 =	sshll.u32 s0, $0xA;
	s2 =	sadd.s32 s3, s2  }
0x8d: {  	s2 =	sadd.s32 s2, s17  }
0x8e: {  	[smem:$0x3FC5] =	sst s2  }
0x8f: {  	_ = 	snop  }
0x90: {  	s2 =	sld [smem:$0x3FD0];
	(tm) =	ssettm $0x1  }
0x91: {  	s18 =	sld [smem:$0x3FFB];
	_ =	sdelay $0x3  }
0x92: {  	_ =	strace s18  }
0x93: {  	s3 =	sld [smem:$0x3FFC];
	_ =	sdelay $0x3  }
0x94: {  	_ =	strace s3  }
0x95: {  	s3 =	sld [smem:$0x3FFD];
	_ =	sdelay $0x3  }
0x96: {  	_ =	strace s3  }
0x97: {  	_ =	strace $0x8FFFFFFF  }
0x98: {  	s19 =	sld [smem:$0x3FDB];
	_ =	sdelay $0x1  }
0x99: {  	s4 =	simm.s32 $_scs_section_size  }
0x9a: {  	s5 =	simm.s32 $_size__tile_overlayer_lowered;
	s6 =	simm.s32 $_tile_overlayer_lowered  }
0x9b: {  	s22 =	simm.s32 $0x1BFF;
	s21 =	sshll.u32 s6, $0x1;
	s3 =	sadd.s32 s4, s19  }
0x9c: {  	s7 =	simm.s32 $0x0;
	s20 =	sshll.u32 s5, $0x1;
	s5 =	sadd.s32 s21, s3  }
0x9d: {  	[timem:s7], [sflag:s22] =	dma.local [hbm:s5], s20  }
0x9e: {  	_ =	swait.ge [sflag:s22], s20  }
0x9f: {  	s4 =	ssub.s32 $0x0, s20;
	[sflag:s22] =	ssyncset.done $0x0  }
0xa0: {  	[sflag:s22] =	ssyncadd.s32 s4;
	_ =	sdelay $0x1  }
0xa1: {  	s23 =	simm.s32 $0x1B8B  }
0xa2: {  	_ =	swait.ge [sflag:s23], $0x1  }
0xa3: {  	[sflag:s23] =	ssyncset.done $0x0  }
0xa4: {  	s25 =	simm.s32 $0x1B8E;
	s24 =	sld [smem:$0x3FFE];
	[sflag:s23] =	ssyncadd.s32 $0xFFFFFFFF  }
0xa5: {  	s26 =	simm.s32 $execute0_lowered;
	[smem:$0x3FD2] =	sst s25  }
0xa6: {  	s5 =	sshll.u32 s26, $0x1;
	_ =	strace $0x80000046;
	[dreg:$0x1] =	wrdreg $0xFFFFFFFF  }
0xa7: {  	s28 =	simm.s32 $_size_execute0_lowered;
	s3 =	sadd.s32 s3, s5;
	[dreg:$0x0] =	wrdreg $0x0  }
0xa8: {  	s5 =	sshll.u32 s28, $0x1;
	[dreg:$0x2] =	wrdreg s3  }
0xa9: {  	[dreg:$0x3] =	wrdreg s5  }
0xaa: {  	[dreg:$0x4] =	wrdreg $0xC0  }
0xab: {  	_ =	task [dreg:s7], $0x5FFFF  }
0xac: {  	[dreg:$0x1] =	wrdreg $0xFFFFFFFF  }
0xad: {  	[dreg:$0x0] =	wrdreg $0x60  }
0xae: {  	[dreg:$0x2] =	wrdreg s2  }
0xaf: {  	[dreg:$0x3] =	wrdreg s24  }
0xb0: {  	[dreg:$0x4] =	wrdreg $0x9  }
0xb1: {  	_ =	task.clear_ibuf [dreg:s7], $0x5FFFF;
	_ =	strace $0x90000046  }
0xb2: {  	s29 =	simm.s32 $0x9;
	_ =	strace $0x80000048  }
0xb3: {  	_ =	swait.ge [sflag:s29], $0x1  }
0xb4: {  	[sflag:s29] =	ssyncadd.s32 $0xFFFFFFFF  }
0xb5: {  	_ =	strace $0x90000048  }
0xb6: {  	_ =	sfence  }
0xb7: {  	s30 =	sld [smem:$0x0];
	_ =	sdelay $0x2  }
0xb8: {  	s31 =	sshll.u32 s1, $0xD;
	s1 =	sshrl.u32 s1, $0x2  }
0xb9: {  	s3 =	sand.u32 $0x4000, s31;
	s1 =	sadd.s32 s1, s30  }
0xba: {  	s0 =	sor.u32 s3, s0;
	s1 =	sshll.u32 s1, $0x11  }
0xbb: {  	s0 =	sor.u32 s1, s0  }
0xbc: {  	s0 =	sadd.s32 $0x8F2B, s0  }
0xbd: {  	[sflag:s0] =	ssyncadd.remote.s32 $0x1  }
0xbe: {  	_ =	sfence.sel $0xFFFF  }
0xbf: {  	[dreg:$0x0] =	wrdreg $0xFFFFFFFF;
	(pc) =	sbr.abs _section_cstart, $3  }
0xc0: {  	[dreg:$0x1] =	wrdreg $0xFFFFFFFF  }
0xc1: {  	_ =	task.clear_ibuf [dreg:s7], $0x2FFFF;
	_ =	strace $0x9FFFFFFF  }
0xc2: {  	(tm) =	ssettm $0x7FFFFFFF  }
0xc3: {  	_ =	shalt  }
tec
execute0_lowered:
.L_overlay_start_1:
0x0: {  	(tag) =	ssettag $0x1  }
0x1: {  	s3 =	rddreg [dreg:$0x0]  }
0x2: {  	s6 =	rddreg [dreg:$0x1]  }
0x3: {  	s0 =	srdreg.scid;
	s1 =	rddreg [dreg:$0x2]  }
0x4: {  	s2 =	simm.s32 $0x0;
	s11 =	simm.s32 $0x2800;
	s4 =	sand.u32 $0x1, s0  }
0x5: {  	s12 =	simm.s32 $0x5000;
	s0 =	stileid.u32;
	s5 =	smul.u32 $0x28000, s4  }
0x6: {  	s13 =	simm.s32 $0xF000;
	s14 =	simm.s32 $0x19000;
	s7 =	smul.u32 $0x2800, s0  }
0x7: {  	s15 =	simm.s32 $0x19080;
	[smem:$0x7FF] =	sst s2;
	s28 =	smul.u32 $0xA0000, s4  }
0x8: {  	s16 =	simm.s32 $0x0;
	s8 =	smul.u32 $0xA000, s0;
	_ =	strace $0x80000047  }
0x9: {  	s29 =	sshll.u32 s4, $0x8;
	s10 =	sshll.u32 s0, $0x4;
	s4 =	ssub.s32 $0x2, s4  }
0xa: {  	s30 =	sshrl.u32 s4, $0x1;
	s5 =	sadd.s32 s7, s5;
	s7 =	sadd.s32 s8, s28  }
0xb: {  	s8 =	sor.u32 s29, s10;
	s31 =	ssub.s32 s4, s30;
	s10 =	simm.s32 $0x1  }
0xc: {  	s5 =	sshrl.u32 s5, $0x3;
	s7 =	sshrl.u32 s7, $0x3;
	s8 =	sadd.s32 s8, s6  }
0xd: {  	s9 =	sadd.s32 s5, s6;
	s7 =	sadd.s32 s7, s6;
	s3 =	sadd.s32 s3, s5  }
0xe: {  	v0 =	vimm.s32 $0x0;
	v1 =	vlaneseq.u32;
	v2 =	vimm.s32 $0x1400;
	s4 =	sadd.s32 $0x1000, s9;
	s5 =	sadd.s32 $0xB000, s7;
	s6 =	sadd.s32 $0x33000, s7  }
0xf: {  	v3 =	vor.u32 $0x10, v1;
	v4 =	vor.u32 $0x20, v1;
	v5 =	vor.u32 $0x30, v1;
	s7 =	sadd.s32 $0x5B000, s8;
	s8 =	sadd.s32 $0x5B200, s8;
	s9 =	smax.u32 s31, $0x1  }
.LBB2_1:
0x10: {  	[tilespmem:s2], [sflag:$0x1] =	stream.linear.gather [hbm4b:s3+s2], $0x2780, $0x38;
	[tilespmem:$0x19100] =	vst v63  }
0x11: {  	_ =	swait.ge [sflag:s10], $0x2780  }
0x12: {  	[sflag:s10] =	ssyncset.done $0x0  }
0x13: {  	[sflag:s10] =	ssyncadd.s32 $0xFFFFD880  }
0x14: {  	[tilespmem:s11], [sflag:$0x1] =	stream.linear.gather [hbm4b:s4+s2], $0x2780, $0x38;
	[tilespmem:$0x19100] =	vst v63  }
0x15: {  	_ =	swait.ge [sflag:s10], $0x2780  }
0x16: {  	[sflag:s10] =	ssyncset.done $0x0  }
0x17: {  	s17 =	simm.s32 $0x0;
	[sflag:s10] =	ssyncadd.s32 $0xFFFFD880  }
0x18: {  	v6 =	vld [tilespmem:s17+$0x2800];
	_ =	sdelay $0x4  }
0x19: {  	vm1 =	vlt.s32 v6, $0x1400  }
0x1a: {  	vm0 =	vgt.s32 v6, $0x13FF;
	v7 =	vsel vm1, $0x1, v0  }
0x1b: {  	v8 =	vsel vm0, $0x1, v0;
	(xrf0) =	vadd.scan.msk.s32 $0xffff, v7  }
0x1c: {  	(xrf0) =	vadd.scan.msk.s32 $0xffff, v8;
	_ =	sdelay $0x4  }
0x1d: {  	v7, _, _ =	vpop (xrf0)  }
0x1e: {  	v8 =	vxor.u32 $0x80000000, v7;
	v9, _, _ =	vpop (xrf0)  }
0x1f: {  	s18 =	simm.s32 $0xFFFFFFFF;
	v10 =	vxor.u32 $0x80000000, v9;
	(xrf0) =	vmax.scan.msk.u32 $0xffff, v8  }
0x20: {  	v7 =	vadd.s32 s18, v7;
	(xrf0) =	vmax.scan.msk.u32 $0xffff, v10  }
0x21: {  	v8 =	vshll.u32 v7, $0x2  }
0x22: {  	v9 =	vadd.s32 s18, v9;
	v7 =	vand.u32 $0x3F, v7;
	v8 =	vand.u32 $0xFFFFFF00, v8  }
0x23: {  	v11 =	vld [tilespmem:s17+$0x0];
	v61 =	vshll.u32 v9, $0x2;
	v7 =	vor.u32 v7, v8  }
0x24: {  	v9 =	vand.u32 $0x3F, v9;
	v8 =	vand.u32 $0xFFFFFF00, v61;
	v12 =	vor.u32 $0x80, v7  }
0x25: {  	v8 =	vor.u32 v9, v8;
	v62, _, _ =	vpop (xrf0)  }
0x26: {  	v9 =	vor.u32 $0x80, v8;
	(v2sf) =	vpush v62, $0xF;
	v63, _, _ =	vpop (xrf0)  }
0x27: {  	(v2sf) =	vpush v63, $0xF  }
0x28: {  	[tilespmem:v7+s12+$0x0] =	vst.idx.msk vm1, v11  }
0x29: {  	[tilespmem:v12+s12+$0x0] =	vst.idx.msk vm1, v6  }
0x2a: {  	v6 =	vadd.s32 $0xFFFFEC00, v6;
	[tilespmem:v8+s13+$0x0] =	vst.idx.msk vm0, v11  }
0x2b: {  	s17 =	simm.s32 $0x10;
	[tilespmem:v9+s13+$0x0] =	vst.idx.msk vm0, v6  }
0x2c: {  	v6 =	vld [tilespmem:s17+$0x2800];
	_ =	sdelay $0x4  }
0x2d: {  	vm1 =	vlt.s32 v6, $0x1400  }
0x2e: {  	vm0 =	vgt.s32 v6, $0x13FF;
	v7 =	vsel vm1, $0x1, v0  }
0x2f: {  	v8 =	vsel vm0, $0x1, v0;
	(xrf0) =	vadd.scan.msk.s32 $0xffff, v7  }
0x30: {  	(xrf0) =	vadd.scan.msk.s32 $0xffff, v8  }
0x31: {  	s22 =	simm.s32 $0x80;
	s31 =	spop (v2sf)  }
0x32: {  	s18 =	simm.s32 $0x0;
	s19 =	sadd.s32 $0x0, s31;
	s21 =	spop (v2sf)  }
.LBB2_2:
0x33: {  	s19 =	sadd.s32 $0x80000000, s19  }
0x34: {  	s18 =	sadd.s32 s21, s18;
	s21 =	smov.u32 s22;
	s20 =	sadd.s32 $0x40, s22  }
0x35: {  	p0 =	sne.s32 s22, $0x9DC0;
	s22 =	sadd.s32 $0xFFFFFFFF, s19;
	v7, _, _ =	vpop (xrf0);
	s18 =	sadd.s32 $0x80000000, s18  }
0x36: {  	v8 =	vadd.s32 s22, v7;
	s22 =	sadd.s32 $0xFFFFFFFF, s18;
	v7 =	vxor.u32 $0x80000000, v7;
	v9, _, _ =	vpop (xrf0)  }
0x37: {  	v10 =	vshll.u32 v8, $0x2;
	v11 =	vadd.s32 s22, v9;
	v9 =	vxor.u32 $0x80000000, v9;
	(xrf0) =	vmax.scan.msk.u32 $0xffff, v7  }
0x38: {  	v7 =	vand.u32 $0x3F, v8;
	v8 =	vand.u32 $0xFFFFFF00, v10;
	v10 =	vshll.u32 v11, $0x2;
	(xrf0) =	vmax.scan.msk.u32 $0xffff, v9  }
0x39: {  	v9 =	vld [tilespmem:s17+$0x0];
	v7 =	vor.u32 v7, v8;
	v8 =	vand.u32 $0xFFFFFF00, v10  }
0x3a: {  	v11 =	vand.u32 $0x3F, v11;
	v10 =	vor.u32 $0x80, v7  }
0x3b: {  	v8 =	vor.u32 v11, v8  }
0x3c: {  	v11 =	vor.u32 $0x80, v8  }
0x3d: {  	v12, _, _ =	vpop (xrf0)  }
0x3e: {  	[tilespmem:v7+s12+$0x0] =	vst.idx.msk vm1, v9;
	(v2sf) =	vpush v12, $0xF;
	v7, _, _ =	vpop (xrf0)  }
0x3f: {  	[tilespmem:v10+s12+$0x0] =	vst.idx.msk vm1, v6;
	(v2sf) =	vpush v7, $0xF  }
0x40: {  	v6 =	vadd.s32 $0xFFFFEC00, v6;
	[tilespmem:v8+s13+$0x0] =	vst.idx.msk vm0, v9  }
0x41: {  	[tilespmem:v11+s13+$0x0] =	vst.idx.msk vm0, v6  }
0x42: {  	s17 =	sshra.s32 s21, $0x2  }
0x43: {  	v6 =	vld [tilespmem:s17+$0x2800];
	_ =	sdelay $0x4  }
0x44: {  	vm1 =	vlt.s32 v6, $0x1400;
	vm0 =	vgt.s32 v6, $0x13FF  }
0x45: {  	v7 =	vsel vm1, $0x1, v0;
	v8 =	vsel vm0, $0x1, v0  }
.Ltmp0:
0x46: {  	(xrf0) =	vadd.scan.msk.s32 $0xffff, v7;
	(pc) =	sbr.rel @p0 .LBB2_2-.Ltmp0, $3  }
0x47: {  	(xrf0) =	vadd.scan.msk.s32 $0xffff, v8;
	_ =	sdelay $0x1  }
0x48: {  	s21 =	spop (v2sf)  }
0x49: {  	s22 =	smov.u32 s20;
	s19 =	sadd.s32 s21, s19;
	s21 =	spop (v2sf)  }
0x4a: {  	_ = 	snop  }
0x4b: {  	v7, _, _ =	vpop (xrf0)  }
0x4c: {  	v8 =	vxor.u32 $0x80000000, v7  }
0x4d: {  	(xrf0) =	vmax.scan.msk.u32 $0xffff, v8;
	_ =	sdelay $0x2  }
0x4e: {  	v38, _, _ =	vpop (xrf0)  }
0x4f: {  	v39 =	vxor.u32 $0x80000000, v38  }
0x50: {  	(xrf0) =	vmax.scan.msk.u32 $0xffff, v39  }
0x51: {  	v9, _, _ =	vpop (xrf0)  }
0x52: {  	(v2sf) =	vpush v9, $0xF;
	_ =	sdelay $0x3  }
0x53: {  	v9, _, _ =	vpop (xrf0)  }
0x54: {  	(v2sf) =	vpush v9, $0xF;
	_ =	sdelay $0x4  }
0x55: {  	s18 =	sadd.s32 s21, s18  }
0x56: {  	s19 =	sadd.s32 $0x80000000, s19;
	s20 =	sadd.s32 $0x80000000, s18  }
0x57: {  	s25 =	sadd.s32 $0xFFFFFFFF, s19;
	s26 =	sadd.s32 $0xFFFFFFFF, s20  }
0x58: {  	v7 =	vadd.s32 s25, v7;
	v8 =	vadd.s32 s26, v38  }
0x59: {  	v40 =	vshll.u32 v7, $0x2;
	v7 =	vand.u32 $0x3F, v7;
	v10 =	vshll.u32 v8, $0x2  }
0x5a: {  	v8 =	vand.u32 $0x3F, v8;
	v10 =	vand.u32 $0xFFFFFF00, v10;
	v9 =	vand.u32 $0xFFFFFF00, v40;
	s28 =	spop (v2sf)  }
0x5b: {  	v14 =	vld [tilespmem:s17+$0x0];
	v8 =	vor.u32 v8, v10;
	v7 =	vor.u32 v7, v9;
	s18 =	sadd.s32 s28, s19  }
0x5c: {  	v11 =	vadd.s32 $0xFFFFEC00, v6;
	v10 =	vor.u32 $0x80, v8;
	s18 =	sadd.s32 $0x80000000, s18  }
0x5d: {  	v9 =	vor.u32 $0x80, v7;
	v13 =	vadd.s32 s18, v1;
	v16 =	vadd.s32 s18, v3  }
0x5e: {  	s29 =	ssub.s32 $0x0, s18;
	v44 =	vadd.s32 s18, v4;
	v46 =	vadd.s32 s18, v5;
	v15 =	vshll.u32 v13, $0x2  }
0x5f: {  	s30 =	spop (v2sf);
	s19 =	sand.u32 $0x3F, s29;
	v13 =	vand.u32 $0x3F, v13;
	v17 =	vshll.u32 v16, $0x2;
	v41 =	vand.u32 $0x3F, v16  }
0x60: {  	[tilespmem:v7+s12+$0x0] =	vst.idx.msk vm1, v14;
	s17 =	sadd.s32 s30, s20;
	v19 =	vshll.u32 v44, $0x2;
	v7 =	vand.u32 $0x3F, v44;
	v12 =	vmov s19  }
0x61: {  	s17 =	sadd.s32 $0x80000000, s17;
	v48 =	vand.u32 $0x3F, v46;
	v15 =	vand.u32 $0xFFFFFF00, v15;
	vm2 =	vgt.u32 v12, v1  }
0x62: {  	v49 =	vadd.s32 s17, v1;
	v53 =	vadd.s32 s17, v3;
	v13 =	vor.u32 v13, v15  }
0x63: {  	v42 =	vand.u32 $0xFFFFFF00, v17;
	vm3 =	vgt.u32 v12, v3;
	v43 =	vor.u32 $0x80, v13  }
0x64: {  	[tilespmem:v9+s12+$0x0] =	vst.idx.msk vm1, v6;
	v56 =	vadd.s32 s17, v4;
	v45 =	vand.u32 $0xFFFFFF00, v19;
	v15 =	vor.u32 v41, v42  }
0x65: {  	[tilespmem:v8+s13+$0x0] =	vst.idx.msk vm0, v14;
	v52 =	vshll.u32 v49, $0x2;
	vm10 =	vgt.u32 v12, v4;
	v18 =	vor.u32 $0x80, v15  }
0x66: {  	[tilespmem:v10+s13+$0x0] =	vst.idx.msk vm0, v11;
	s31 =	ssub.s32 $0x0, s17;
	v9 =	vand.u32 $0x3F, v49;
	v6 =	vor.u32 v7, v45;
	v7 =	vshll.u32 v46, $0x2  }
0x67: {  	s20 =	sand.u32 $0x3F, s31;
	vm11 =	vgt.u32 v12, v5;
	v47 =	vor.u32 $0x80, v6;
	v7 =	vand.u32 $0xFFFFFF00, v7;
	[tilespmem:v13+s12+$0x0] =	vst.idx.msk vm2, v0  }
0x68: {  	v54 =	vshll.u32 v53, $0x2;
	v51 =	vmov s20;
	v7 =	vor.u32 v48, v7;
	[tilespmem:v43+s12+$0x0] =	vst.idx.msk vm2, v2  }
0x69: {  	v12 =	vand.u32 $0xFFFFFF00, v52;
	vm12 =	vgt.u32 v51, v1;
	v50 =	vor.u32 $0x80, v7;
	[tilespmem:v15+s12+$0x0] =	vst.idx.msk vm3, v0  }
0x6a: {  	v58 =	vshll.u32 v56, $0x2;
	v9 =	vor.u32 v9, v12;
	v12 =	vand.u32 $0xFFFFFF00, v54;
	[tilespmem:v18+s12+$0x0] =	vst.idx.msk vm3, v2  }
0x6b: {  	vm13 =	vgt.u32 v51, v3;
	v55 =	vor.u32 $0x80, v9;
	v13 =	vand.u32 $0x3F, v53;
	[tilespmem:v6+s12+$0x0] =	vst.idx.msk vm10, v0  }
0x6c: {  	v60 =	vadd.s32 s17, v5;
	v59 =	vand.u32 $0xFFFFFF00, v58;
	v6 =	vor.u32 v13, v12;
	[tilespmem:v47+s12+$0x0] =	vst.idx.msk vm10, v2  }
0x6d: {  	vm14 =	vgt.u32 v51, v4;
	v57 =	vor.u32 $0x80, v6;
	[tilespmem:v7+s12+$0x0] =	vst.idx.msk vm11, v0;
	v7 =	vand.u32 $0x3F, v56  }
0x6e: {  	v61 =	vshll.u32 v60, $0x2;
	v63 =	vand.u32 $0x3F, v60;
	[tilespmem:v50+s12+$0x0] =	vst.idx.msk vm11, v2;
	v7 =	vor.u32 v7, v59  }
0x6f: {  	v10 =	vand.u32 $0xFFFFFF00, v61;
	vm15 =	vgt.u32 v51, v5;
	[tilespmem:v9+s13+$0x0] =	vst.idx.msk vm12, v0;
	v62 =	vor.u32 $0x80, v7  }
0x70: {  	v10 =	vor.u32 v63, v10;
	[tilespmem:v55+s13+$0x0] =	vst.idx.msk vm12, v2  }
0x71: {  	[tilespmem:v6+s13+$0x0] =	vst.idx.msk vm13, v0;
	v6 =	vor.u32 $0x80, v10  }
0x72: {  	[tilespmem:v57+s13+$0x0] =	vst.idx.msk vm13, v2  }
0x73: {  	[tilespmem:v7+s13+$0x0] =	vst.idx.msk vm14, v0  }
0x74: {  	s18 =	sadd.s32 s18, s19;
	[tilespmem:v62+s13+$0x0] =	vst.idx.msk vm14, v2  }
0x75: {  	s18 =	sshra.s32 s18, $0x6;
	s17 =	sadd.s32 s17, s20;
	[tilespmem:v10+s13+$0x0] =	vst.idx.msk vm15, v0  }
0x76: {  	s17 =	sshra.s32 s17, $0x6;
	[tilespmem:v6+s13+$0x0] =	vst.idx.msk vm15, v2;
	v6 =	vmov s18  }
0x77: {  	v7 =	vmov s17;
	[tilespmem:$0x19000] =	vst v6  }
0x78: {  	[tilespmem:$0x19080] =	vst v7  }
0x79: {  	[tilespmem:$0x19010] =	vst v6  }
0x7a: {  	[tilespmem:$0x19090] =	vst v7  }
0x7b: {  	[tilespmem:$0x19020] =	vst v6  }
0x7c: {  	[tilespmem:$0x190A0] =	vst v7  }
0x7d: {  	[tilespmem:$0x19030] =	vst v6  }
0x7e: {  	[tilespmem:$0x190B0] =	vst v7  }
0x7f: {  	[hbm4b:s5+s2] =	stream.linear.scatter [tilespmem:s12], [sflag:$0x1], $0xA000, $0x38;
	[tilespmem:$0x19100] =	vst v63  }
0x80: {  	_ =	swait.ge [sflag:s10], $0xA000  }
0x81: {  	[sflag:s10] =	ssyncset.done $0x0  }
0x82: {  	[sflag:s10] =	ssyncadd.s32 $0xFFFF6000  }
0x83: {  	[hbm4b:s6+s2] =	stream.linear.scatter [tilespmem:s13], [sflag:$0x1], $0xA000, $0x38;
	[tilespmem:$0x19100] =	vst v63  }
0x84: {  	_ =	swait.ge [sflag:s10], $0xA000  }
0x85: {  	[sflag:s10] =	ssyncset.done $0x0  }
0x86: {  	[sflag:s10] =	ssyncadd.s32 $0xFFFF6000  }
0x87: {  	[hbm4b:s7+s2] =	stream.linear.scatter [tilespmem:s14], [sflag:$0x1], $0x80, $0x38;
	[tilespmem:$0x19100] =	vst v63  }
0x88: {  	s16 =	sadd.s32 $0x1, s16;
	_ =	swait.ge [sflag:s10], $0x80  }
0x89: {  	p0 =	sne.s32 s16, s9;
	[sflag:s10] =	ssyncset.done $0x0  }
.Ltmp1:
0x8a: {  	[sflag:s10] =	ssyncadd.s32 $0xFFFFFF80;
	(pc) =	sbr.rel @p0 .LBB2_1-.Ltmp1, $4  }
0x8b: {  	[hbm4b:s8+s2] =	stream.linear.scatter [tilespmem:s15], [sflag:$0x1], $0x80, $0x38;
	[tilespmem:$0x19100] =	vst v63  }
0x8c: {  	_ =	swait.ge [sflag:s10], $0x80  }
0x8d: {  	[sflag:s10] =	ssyncset.done $0x0  }
0x8e: {  	[sflag:s10] =	ssyncadd.s32 $0xFFFFFF80  }
0x8f: {  	_ =	sfence.sel $0x180000  }
0x90: {  	[bflag:$0x0] =	sbarrier.arrive $0xFFFF  }
0x91: {  	p0 =	sne.s32 s0, $0x0;
	_ =	strace $0x90000047  }
0x92: {  	s0 =	sadd.s32 @!p0 $0x100000, s1;
	[bflag:$0x2] =	sbarrier.arrive $0xFFFF  }
0x93: {  	[sflag:s0] =	ssyncadd.tile.s32 @!p0 $0x1;
	_ =	shalt  }
.Lfunc_end2:
_tile_overlayer_lowered:
.L_overlay_start_2:
0x94: {  	(tag) =	ssettag $0x2  }
0x95: {  	s0 =	rddreg [dreg:$0x0];
	s2 =	stileid.u32  }
0x96: {  	s1 =	rddreg [dreg:$0x1];
	p0 =	sne.s32 s2, $0x0  }
0x97: {  	s3 =	rddreg [dreg:$0x2];
	[bflag:$0x3] =	sbarrier.arrive $0xFFFF;
	s2 =	simm.s32 @!p0 $0x1C01  }
0x98: {  	[timem:s3], [sflag:s2] =	dma.local @!p0 [hbm:s0], s1  }
0x99: {  	s0 =	simm.s32 @!p0 $0x1  }
0x9a: {  	_ =	swait.ge @!p0 [sflag:s0], s1  }
0x9b: {  	s1 =	ssub.s32 @!p0 $0x0, s1;
	[sflag:s0] =	ssyncset.done @!p0 $0x0  }
0x9c: {  	[sflag:s0] =	ssyncadd.s32 @!p0 s1  }
0x9d: {  	[bflag:$0x3] =	sbarrier.arrive $0xFFFF  }
0x9e: {  	_ =	shalt  }

// kernel: kernel.8.cloned.1.call-start
scs
__scs_entry_jumppad:
0x0: {  	(pc) =	sbr.rel $0x88, $3  }
0x1: {  	(tag) =	ssettag $0x0;
	lr =	simm.s32 $0x1  }
0x2: {  	[smem:$0x3F9E] =	sst lr;
	_ =	strace $0xD0000000  }
0x3: {  	_ = 	snop  }
0x4: {  	_ = 	snop  }
0x5: {  	_ = 	snop  }
0x6: {  	_ = 	snop  }
0x7: {  	_ = 	snop  }
__scs_overlays_trampoline_lowered:
0x8: {  	[smem:$0x3FAD] =	sst s0  }
0x9: {  	[smem:$0x3FAE] =	sst s1  }
0xa: {  	[smem:$0x3FAF] =	sst s2  }
0xb: {  	[smem:$0x3FB0] =	sst s3  }
0xc: {  	[smem:$0x3FB1] =	sst s4  }
0xd: {  	[smem:$0x3FB2] =	sst s5  }
0xe: {  	[smem:$0x3FB3] =	sst s6  }
0xf: {  	[smem:$0x3FB4] =	sst s7  }
0x10: {  	[smem:$0x3FB5] =	sst s8  }
0x11: {  	[smem:$0x3FB6] =	sst s9;
	s0 =	simm.s32 @!p0 $0x0  }
0x12: {  	s1 =	sld [smem:$0x3F9C];
	s0 =	simm.s32 @p0 $0x1  }
0x13: {  	[smem:$0x3FB7] =	sst s0;
	s0 =	simm.s32 @!p1 $0x0  }
0x14: {  	s2 =	sld [smem:$0x3F9B];
	s0 =	simm.s32 @p1 $0x1  }
0x15: {  	[smem:$0x3FB8] =	sst s0;
	s0 =	simm.s32 @!p2 $0x0  }
0x16: {  	s3 =	sld [smem:$0x3FDB];
	s0 =	simm.s32 @p2 $0x1  }
0x17: {  	s4 =	simm.s32 $0x1BF5;
	[smem:$0x3FBA] =	sst s0  }
0x18: {  	s0 =	sld [smem:$0x3F9D];
	_ =	swait.ge [sflag:s4], $0x0  }
0x19: {  	s7 =	sld [smem:$0x3F9E]  }
0x1a: {  	s8 =	sadd.s32 $0xFFFFE003, lr  }
0x1b: {  	s9 =	sadd.s32 $0xFFFFFEF7, lr;
	s5 =	simm.s32 $0xFFFFFFFF;
	p2 =	slt.u32 s8, $0xFFFFF086  }
0x1c: {  	p1 =	slt.u32 s9, $0xF7A;
	s5 =	simm.s32 @!p2 $0x0  }
0x1d: {  	s5 =	simm.s32 @p1 $0x1;
	p0 =	seq.s32 s7, s2  }
0x1e: {  	s7 =	smul.u32 @!p0 $0xF7A, s2;
	p2 =	seq.s32 @!p0 s5, $0x0  }
0x1f: {  	s9 =	smul.u32 $0xF7A, s1;
	s8 =	simm.s32 @!p0 $0x1BF5;
	p2 =	por !p2, p0  }
0x20: {  	[sflag:s8] =	ssyncset.s32 @!p0 $0xFFFFF086;
	s6 =	sadd.s32 @!p0 s3, s7;
	s7 =	simm.s32 @!p0 $0x108  }
0x21: {  	s3 =	sadd.s32 s3, s9;
	s6 =	sadd.s32 @!p0 $0x88, s6;
	s7 =	simm.s32 @p2 $0x1082  }
0x22: {  	[simem:s7], [sflag:s8] =	dma.local @!p0 [hbm:s6], $0xF7A  }
0x23: {  	s9 =	sor.u32 $0xD0000000, s2;
	s6 =	simm.s32 $0x108;
	_ =	swait.ge @!p0 [sflag:s8], $0x0  }
0x24: {  	s3 =	sadd.s32 $0x88, s3;
	s6 =	simm.s32 @!p1 $0x1082;
	[sflag:s4] =	ssyncset.s32 $0xFFFFF086  }
0x25: {  	[simem:s6], [sflag:s4] =	dma.local [hbm:s3], $0xF7A  }
0x26: {  	[smem:$0x3F9E] =	sst s1;
	(tag) =	ssettag s2;
	_ =	strace s9  }
0x27: {  	s1 =	sld [smem:$0x3FAE]  }
0x28: {  	s2 =	sld [smem:$0x3FAF]  }
0x29: {  	s4 =	sld [smem:$0x3FB1]  }
0x2a: {  	p0 =	seq.s32 s5, $0x0;
	s5 =	sld [smem:$0x3FB2]  }
0x2b: {  	s6 =	sld [smem:$0x3FB3]  }
0x2c: {  	s7 =	sld [smem:$0x3FB4]  }
0x2d: {  	s3 =	simm.s32 $0x108;
	s8 =	sld [smem:$0x3FB5]  }
0x2e: {  	s3 =	simm.s32 @!p0 $0x1082;
	s9 =	sld [smem:$0x3FB6]  }
0x2f: {  	lr =	sadd.s32 s0, s3;
	s0 =	sld [smem:$0x3FAD]  }
0x30: {  	s3 =	sld [smem:$0x3FB0]  }
0x31: {  	[smem:$0x3FB9] =	sst s10  }
0x32: {  	s10 =	sld [smem:$0x3FB7];
	_ =	sdelay $0x3  }
0x33: {  	p0 =	seq.s32 s10, $0x1;
	s10 =	sld [smem:$0x3FB9];
	_ =	sdelay $0x3  }
0x34: {  	[smem:$0x3FB9] =	sst s10  }
0x35: {  	s10 =	sld [smem:$0x3FB8];
	_ =	sdelay $0x3  }
0x36: {  	p1 =	seq.s32 s10, $0x1;
	s10 =	sld [smem:$0x3FB9];
	_ =	sdelay $0x3  }
0x37: {  	[smem:$0x3FB9] =	sst s10  }
0x38: {  	s10 =	sld [smem:$0x3FBA]  }
0x39: {  	_ = 	snop;
	(pc) =	sbr.ind lr, $3  }
0x3a: {  	_ = 	snop  }
0x3b: {  	_ = 	snop  }
0x3c: {  	p2 =	seq.s32 s10, $0x1;
	s10 =	sld [smem:$0x3FB9]  }
0x3d: {  	_ =	shalt  }
0x3e: {  	_ =	shalt  }
0x3f: {  	_ =	shalt  }
0x40: {  	_ =	shalt  }
0x41: {  	_ =	shalt  }
0x42: {  	_ =	shalt  }
0x43: {  	_ =	shalt  }
0x44: {  	_ =	shalt  }
0x45: {  	_ =	shalt  }
0x46: {  	_ =	shalt  }
0x47: {  	_ =	shalt  }
0x48: {  	_ =	shalt  }
0x49: {  	_ =	shalt  }
0x4a: {  	_ =	shalt  }
0x4b: {  	_ =	shalt  }
0x4c: {  	_ =	shalt  }
0x4d: {  	_ =	shalt  }
0x4e: {  	_ =	shalt  }
0x4f: {  	_ =	shalt  }
0x50: {  	_ =	shalt  }
0x51: {  	_ =	shalt  }
0x52: {  	_ =	shalt  }
0x53: {  	_ =	shalt  }
0x54: {  	_ =	shalt  }
0x55: {  	_ =	shalt  }
0x56: {  	_ =	shalt  }
0x57: {  	_ =	shalt  }
0x58: {  	_ =	shalt  }
0x59: {  	_ =	shalt  }
0x5a: {  	_ =	shalt  }
0x5b: {  	_ =	shalt  }
0x5c: {  	_ =	shalt  }
0x5d: {  	_ =	shalt  }
0x5e: {  	_ =	shalt  }
0x5f: {  	_ =	shalt  }
0x60: {  	_ =	shalt  }
0x61: {  	_ =	shalt  }
0x62: {  	_ =	shalt  }
0x63: {  	_ =	shalt  }
0x64: {  	_ =	shalt  }
0x65: {  	_ =	shalt  }
0x66: {  	_ =	shalt  }
0x67: {  	_ =	shalt  }
0x68: {  	_ =	shalt  }
0x69: {  	_ =	shalt  }
0x6a: {  	_ =	shalt  }
0x6b: {  	_ =	shalt  }
0x6c: {  	_ =	shalt  }
0x6d: {  	_ =	shalt  }
0x6e: {  	_ =	shalt  }
0x6f: {  	_ =	shalt  }
0x70: {  	_ =	shalt  }
0x71: {  	_ =	shalt  }
0x72: {  	_ =	shalt  }
0x73: {  	_ =	shalt  }
0x74: {  	_ =	shalt  }
0x75: {  	_ =	shalt  }
0x76: {  	_ =	shalt  }
0x77: {  	_ =	shalt  }
0x78: {  	_ =	shalt  }
0x79: {  	_ =	shalt  }
0x7a: {  	_ =	shalt  }
0x7b: {  	_ =	shalt  }
0x7c: {  	_ =	shalt  }
0x7d: {  	_ =	shalt  }
0x7e: {  	_ =	shalt  }
0x7f: {  	_ =	shalt  }
0x80: {  	_ =	shalt  }
0x81: {  	_ =	shalt  }
0x82: {  	_ =	shalt  }
0x83: {  	_ =	shalt  }
0x84: {  	_ =	shalt  }
0x85: {  	_ =	shalt  }
0x86: {  	_ =	shalt  }
0x87: {  	_ =	shalt  }
.Lfunc_end0:
.L_simem_size_0:
called_computation.1_lowered:
.L_overlay_start_0:
0x88: {  	s2 =	sld [smem:$0x3FD9]  }
0x89: {  	s3 =	sld [smem:$0x3FFE];
	_ =	sdelay $0x1  }
0x8a: {  	s1 =	srdreg.scid  }
0x8b: {  	s0 =	sand.u32 $0x1, s1  }
0x8c: {  	s17 =	sshll.u32 s0, $0xA;
	s2 =	sadd.s32 s3, s2  }
0x8d: {  	s2 =	sadd.s32 s2, s17  }
0x8e: {  	[smem:$0x3FC5] =	sst s2  }
0x8f: {  	_ = 	snop  }
0x90: {  	s2 =	sld [smem:$0x3FC9]  }
0x91: {  	s18 =	sld [smem:$0x3FD0];
	(tm) =	ssettm $0x1  }
0x92: {  	s4 =	sld [smem:$0x3FFB];
	_ =	sdelay $0x3  }
0x93: {  	_ =	strace s4  }
0x94: {  	s4 =	sld [smem:$0x3FFC];
	_ =	sdelay $0x3  }
0x95: {  	_ =	strace s4  }
0x96: {  	s4 =	sld [smem:$0x3FFD];
	_ =	sdelay $0x3  }
0x97: {  	_ =	strace s4  }
0x98: {  	_ =	strace $0x8FFFFFFF  }
0x99: {  	s19 =	sld [smem:$0x3FDB];
	_ =	sdelay $0x1  }
0x9a: {  	s5 =	simm.s32 $_scs_section_size  }
0x9b: {  	s6 =	simm.s32 $_size__tile_overlayer_lowered;
	s7 =	simm.s32 $_tile_overlayer_lowered  }
0x9c: {  	s22 =	simm.s32 $0x1BFF;
	s21 =	sshll.u32 s7, $0x1;
	s4 =	sadd.s32 s5, s19  }
0x9d: {  	s8 =	simm.s32 $0x0;
	s20 =	sshll.u32 s6, $0x1;
	s6 =	sadd.s32 s21, s4  }
0x9e: {  	[timem:s8], [sflag:s22] =	dma.local [hbm:s6], s20  }
0x9f: {  	_ =	swait.ge [sflag:s22], s20  }
0xa0: {  	s5 =	ssub.s32 $0x0, s20;
	[sflag:s22] =	ssyncset.done $0x0  }
0xa1: {  	[sflag:s22] =	ssyncadd.s32 s5;
	_ =	sdelay $0x1  }
0xa2: {  	s23 =	simm.s32 $0x1B8B  }
0xa3: {  	_ =	swait.ge [sflag:s23], $0x1  }
0xa4: {  	[sflag:s23] =	ssyncset.done $0x0  }
0xa5: {  	s25 =	simm.s32 $0x1B8E;
	s24 =	sld [smem:$0x3FFE];
	[sflag:s23] =	ssyncadd.s32 $0xFFFFFFFF  }
0xa6: {  	s26 =	simm.s32 $execute0_lowered;
	[smem:$0x3FD2] =	sst s25  }
0xa7: {  	s6 =	sshll.u32 s26, $0x1;
	_ =	strace $0x80000049;
	[dreg:$0x1] =	wrdreg $0xFFFFFFFF  }
0xa8: {  	s28 =	simm.s32 $_size_execute0_lowered;
	s4 =	sadd.s32 s4, s6;
	[dreg:$0x0] =	wrdreg $0x0  }
0xa9: {  	s6 =	sshll.u32 s28, $0x1;
	[dreg:$0x2] =	wrdreg s4  }
0xaa: {  	[dreg:$0x3] =	wrdreg s6  }
0xab: {  	[dreg:$0x4] =	wrdreg $0xC0  }
0xac: {  	_ =	task [dreg:s8], $0x5FFFF  }
0xad: {  	[dreg:$0x1] =	wrdreg $0xFFFFFFFF  }
0xae: {  	[dreg:$0x0] =	wrdreg $0x60  }
0xaf: {  	[dreg:$0x2] =	wrdreg s2  }
0xb0: {  	[dreg:$0x3] =	wrdreg s24  }
0xb1: {  	[dreg:$0x4] =	wrdreg s18  }
0xb2: {  	[dreg:$0x5] =	wrdreg $0x24000  }
0xb3: {  	[dreg:$0x6] =	wrdreg $0x15C800  }
0xb4: {  	[dreg:$0x7] =	wrdreg $0x9  }
0xb5: {  	_ =	task.clear_ibuf [dreg:s8], $0x8FFFF;
	_ =	strace $0x90000049  }
0xb6: {  	s29 =	simm.s32 $0x9;
	_ =	strace $0x8000004B  }
0xb7: {  	_ =	swait.ge [sflag:s29], $0x1  }
0xb8: {  	[sflag:s29] =	ssyncadd.s32 $0xFFFFFFFF  }
0xb9: {  	_ =	strace $0x9000004B  }
0xba: {  	_ =	sfence  }
0xbb: {  	s30 =	sld [smem:$0x0];
	_ =	sdelay $0x2  }
0xbc: {  	s31 =	sshll.u32 s1, $0xD;
	s1 =	sshrl.u32 s1, $0x2  }
0xbd: {  	s3 =	sand.u32 $0x4000, s31;
	s1 =	sadd.s32 s1, s30  }
0xbe: {  	s0 =	sor.u32 s3, s0;
	s1 =	sshll.u32 s1, $0x11  }
0xbf: {  	s0 =	sor.u32 s1, s0  }
0xc0: {  	s0 =	sadd.s32 $0x8F2B, s0  }
0xc1: {  	[sflag:s0] =	ssyncadd.remote.s32 $0x1  }
0xc2: {  	_ =	sfence.sel $0xFFFF  }
0xc3: {  	[dreg:$0x0] =	wrdreg $0xFFFFFFFF;
	(pc) =	sbr.abs _section_cstart, $3  }
0xc4: {  	[dreg:$0x1] =	wrdreg $0xFFFFFFFF  }
0xc5: {  	_ =	task.clear_ibuf [dreg:s8], $0x2FFFF;
	_ =	strace $0x9FFFFFFF  }
0xc6: {  	(tm) =	ssettm $0x7FFFFFFF  }
0xc7: {  	_ =	shalt  }
tec
execute0_lowered:
.L_overlay_start_1:
0x0: {  	(tag) =	ssettag $0x1  }
0x1: {  	s8 =	rddreg [dreg:$0x0]  }
0x2: {  	s5 =	rddreg [dreg:$0x1]  }
0x3: {  	s9 =	rddreg [dreg:$0x2]  }
0x4: {  	s1 =	rddreg [dreg:$0x3]  }
0x5: {  	s2 =	rddreg [dreg:$0x4];
	s16 =	stileid.u32  }
0x6: {  	s0 =	rddreg [dreg:$0x5];
	s3 =	simm.s32 $0x0;
	s10 =	smul.u32 $0x1400, s16  }
0x7: {  	s4 =	srdreg.scid;
	s23 =	simm.s32 $0x0;
	s26 =	smul.u32 $0x4E000, s16  }
0x8: {  	[smem:$0x7FF] =	sst s3;
	s7 =	sand.u32 $0x1, s4;
	s14 =	smul.u32 $0x2700, s16  }
0x9: {  	s6 =	sshll.u32 s16, $0x4;
	s17 =	smul.u32 $0x28000, s16;
	s28 =	sshll.u32 s16, $0x6  }
0xa: {  	s21 =	sadd.s32 $0x138000, s1;
	s31 =	smul.u32 $0xA000, s16;
	s22 =	sadd.s32 $0xA0000, s2  }
0xb: {  	p0 =	sne.s32 s16, $0x0;
	s4 =	sshll.u32 s7, $0x9;
	s11 =	smul.u32 $0x14000, s7  }
0xc: {  	_ =	strace $0x8000004A;
	s13 =	ssub.s32 $0x2, s7;
	s30 =	smul.u32 $0x140000, s7  }
0xd: {  	s6 =	sor.u32 s4, s6;
	s4 =	sadd.s32 $0xB000, s5;
	s15 =	sshrl.u32 s13, $0x1  }
0xe: {  	s29 =	sshrl.u32 s17, $0x2;
	s7 =	sadd.s32 s9, s10;
	s9 =	sadd.s32 $0x14000, s9  }
0xf: {  	s17 =	simm.s32 $0x1;
	s12 =	sadd.s32 s6, s5;
	s11 =	sadd.s32 s10, s11  }
0x10: {  	s6 =	sshrl.u32 s26, $0x2;
	s15 =	ssub.s32 s13, s15;
	s20 =	sadd.s32 s29, s2  }
0x11: {  	s18 =	sadd.s32 s11, s5;
	s19 =	sadd.s32 s6, s1;
	s5 =	sadd.s32 s8, s14  }
.Ltmp0:
0x12: {  	s6 =	sor.u32 $0x1C01, s28;
	s8 =	sadd.s32 $0x27000, s8;
	(pc) =	sbr.rel .LBB2_1-.Ltmp0, $4  }
0x13: {  	s10 =	sadd.s32 $0x5B000, s12;
	s11 =	sadd.s32 $0x5B100, s12;
	s12 =	sadd.s32 s31, s30  }
0x14: {  	s14 =	smax.u32 s15, $0x1;
	s13 =	sadd.s32 $0x5B400, s18;
	s15 =	sadd.s32 $0xA0000, s12  }
0x15: {  	s16 =	sshrl.u32 s19, $0x3;
	s18 =	sshrl.u32 s20, $0x3;
	s19 =	sshrl.u32 @!p0 s21, $0x3  }
0x16: {  	s20 =	sshrl.u32 @!p0 s22, $0x3;
	s21 =	simm.s32 $0x40;
	s22 =	simm.s32 $0x400  }
.LBB2_10:
0x17: {  	s24 =	sadd.s32 @!p1 s4, s30;
	s26 =	simm.s32 @!p1 $0x1;
	[sflag:s17] =	ssyncadd.s32 @p2 $0xFFFFE000  }
0x18: {  	[tilespmem:s29], [sflag:$0x1] =	stream.linear.gather @!p1 [hbm4b:s24+s29], $0x400, $0x38;
	[tilespmem:$0x1FCC0] =	vst v63  }
0x19: {  	_ =	swait.ge @!p1 [sflag:s26], $0x400  }
0x1a: {  	[sflag:s26] =	ssyncset.done @!p1 $0x0  }
0x1b: {  	s31 =	sshll.u32 s25, $0x8;
	[sflag:s26] =	ssyncadd.s32 @!p1 $0xFFFFFC00  }
0x1c: {  	[tilespmem:s22], [sflag:$0x1] =	stream.indirect.gather [spmem:s1], $0x80, s31, s21, $0xb8;
	[tilespmem:$0x1FCC0] =	vst v63  }
0x1d: {  	_ =	swait.ge [sflag:s17], $0x2000  }
0x1e: {  	[sflag:s17] =	ssyncset.done $0x0  }
0x1f: {  	s24 =	sor.u32 $0x80, s31;
	[sflag:s17] =	ssyncadd.s32 $0xFFFFE000  }
0x20: {  	[spmem:s2] =	stream.indirect.scatter.add.f32 [tilespmem:s22], [sflag:$0x1], $0x80, s24, s21, $0xb8;
	[tilespmem:$0x1FCC0] =	vst v63  }
0x21: {  	_ =	swait.ge [sflag:s17], $0x2000  }
0x22: {  	[sflag:s17] =	ssyncset.done $0x0  }
0x23: {  	[sflag:s17] =	ssyncadd.s32 $0xFFFFE000  }
.LBB2_11:
0x24: {  	s23 =	sadd.s32 $0x1, s23  }
0x25: {  	p1 =	sne.s32 s23, s14  }
.Ltmp1:
0x26: {  	[bflag:$0x0] =	sbarrier.arrive $0xFFFF;
	(pc) =	sbr.rel @!p1 .LBB2_12-.Ltmp1, $4  }
0x27: {  	[hbm:s13], [sflag:s6] =	dma.local [spmem:s18], $0x1400  }
0x28: {  	_ =	swait.ge [sflag:s17], $0x1400  }
0x29: {  	[sflag:s17] =	ssyncset.done $0x0  }
0x2a: {  	[sflag:s17] =	ssyncadd.s32 $0xFFFFEC00  }
.LBB2_1:
0x2b: {  	[spmem:s16], [sflag:s6] =	dma.local [hbm:s5], $0x2700  }
0x2c: {  	_ =	swait.ge [sflag:s17], $0x2700  }
0x2d: {  	[sflag:s17] =	ssyncset.done $0x0  }
0x2e: {  	[sflag:s17] =	ssyncadd.s32 $0xFFFFD900  }
0x2f: {  	[spmem:s18], [sflag:s6] =	dma.local [hbm:s7], $0x1400  }
0x30: {  	_ =	swait.ge [sflag:s17], $0x1400  }
0x31: {  	[sflag:s17] =	ssyncset.done $0x0  }
0x32: {  	s24 =	simm.s32 @!p0 $0x1;
	[sflag:s17] =	ssyncadd.s32 $0xFFFFEC00  }
0x33: {  	[spmem:s19], [sflag:s6] =	dma.local @!p0 [hbm:s8], $0x100  }
0x34: {  	_ =	swait.ge @!p0 [sflag:s24], $0x100  }
0x35: {  	[sflag:s24] =	ssyncset.done @!p0 $0x0  }
0x36: {  	[sflag:s24] =	ssyncadd.s32 @!p0 $0xFFFFFF00  }
0x37: {  	[spmem:s20], [sflag:s6] =	dma.local @!p0 [hbm:s9], $0x80  }
0x38: {  	_ =	swait.ge @!p0 [sflag:s24], $0x80  }
0x39: {  	[sflag:s24] =	ssyncset.done @!p0 $0x0  }
0x3a: {  	[sflag:s24] =	ssyncadd.s32 @!p0 $0xFFFFFF80  }
0x3b: {  	[bflag:$0x0] =	sbarrier.arrive $0xFFFF  }
0x3c: {  	[tilespmem:s3], [sflag:$0x1] =	stream.linear.gather [hbm4b:s10+s3], $0x80, $0x38;
	[tilespmem:$0x1FCC0] =	vst v63  }
0x3d: {  	_ =	swait.ge [sflag:s17], $0x80  }
0x3e: {  	[sflag:s17] =	ssyncset.done $0x0  }
0x3f: {  	[sflag:s17] =	ssyncadd.s32 $0xFFFFFF80  }
0x40: {  	v0 =	vld [tilespmem:$0x0];
	_ =	sdelay $0x4  }
0x41: {  	v0 =	vxor.u32 $0x80000000, v0  }
0x42: {  	(xrf0) =	vmax.scan.msk.u32 $0xffff, v0;
	_ =	sdelay $0x5  }
0x43: {  	v0, _, _ =	vpop (xrf0)  }
0x44: {  	(v2sf) =	vpush v0, $0xF;
	_ =	sdelay $0xe  }
0x45: {  	s31 =	spop (v2sf)  }
0x46: {  	s24 =	sxor.u32 $0x80000000, s31  }
0x47: {  	p1 =	slt.s32 s24, $0x1  }
.Ltmp2:
0x48: {  	_ = 	snop;
	(pc) =	sbr.rel @p1 .LBB2_6-.Ltmp2, $1  }
0x49: {  	_ =	sdelay $0x3  }
0x4a: {  	p3 =	sne.s32 s24, $0x1  }
.Ltmp3:
0x4b: {  	_ = 	snop;
	(pc) =	sbr.rel @!p3 .LBB2_5-.Ltmp3, $4  }
0x4c: {  	_ = 	snop  }
0x4d: {  	s25 =	sand.u32 $0x3, s3  }
0x4e: {  	s26 =	simm.s32 $0x1;
	p1 =	sne.s32 s25, $0x0  }
0x4f: {  	p2 =	por $0x0, $0x0;
	s30 =	sshrl.u32 @!p1 s12, $0x3;
	s29 =	simm.s32 @!p1 $0x0  }
0x50: {  	s28 =	sadd.s32 @!p1 s4, s30;
	s30 =	simm.s32 @!p1 $0x1  }
0x51: {  	[tilespmem:s29], [sflag:$0x1] =	stream.linear.gather @!p1 [hbm4b:s28+s29], $0x400, $0x38;
	[tilespmem:$0x1FCC0] =	vst v63  }
0x52: {  	_ =	swait.ge @!p1 [sflag:s30], $0x400  }
0x53: {  	[sflag:s30] =	ssyncset.done @!p1 $0x0  }
0x54: {  	s28 =	sshll.u32 s25, $0x8;
	[sflag:s30] =	ssyncadd.s32 @!p1 $0xFFFFFC00  }
0x55: {  	[tilespmem:s22], [sflag:$0x1] =	stream.indirect.gather [spmem:s1], $0x80, s28, s21, $0xb8;
	[tilespmem:$0x1FCC0] =	vst v63  }
0x56: {  	p3 =	sne.s32 s24, $0x2;
	p2 =	por $0x1, $0x1;
	_ =	swait.ge [sflag:s17], $0x2000  }
.Ltmp4:
0x57: {  	s25 =	sand.u32 $0x3, s26;
	[sflag:s17] =	ssyncset.done $0x0;
	(pc) =	sbr.rel @!p3 .LBB2_5-.Ltmp4, $4  }
0x58: {  	s26 =	simm.s32 $0x2;
	s31 =	sor.u32 $0x80, s28;
	[sflag:s17] =	ssyncadd.s32 $0xFFFFE000  }
0x59: {  	[spmem:s2] =	stream.indirect.scatter.add.f32 [tilespmem:s22], [sflag:$0x1], $0x80, s31, s21, $0xb8;
	[tilespmem:$0x1FCC0] =	vst v63  }
0x5a: {  	p1 =	sne.s32 s25, $0x0;
	s28 =	sadd.s32 $0x100, s12;
	_ =	swait.ge [sflag:s17], $0x2000  }
0x5b: {  	s29 =	simm.s32 @!p1 $0x0;
	s30 =	sshrl.u32 @!p1 s28, $0x3;
	[sflag:s17] =	ssyncset.done $0x0  }
.LBB2_4:
0x5c: {  	s30 =	sadd.s32 @!p1 s4, s30;
	s31 =	simm.s32 @!p1 $0x1;
	[sflag:s17] =	ssyncadd.s32 $0xFFFFE000  }
0x5d: {  	[tilespmem:s29], [sflag:$0x1] =	stream.linear.gather @!p1 [hbm4b:s30+s29], $0x400, $0x38;
	[tilespmem:$0x1FCC0] =	vst v63  }
0x5e: {  	s29 =	smov.u32 s26;
	s26 =	sadd.s32 $0x1, s26;
	_ =	swait.ge @!p1 [sflag:s31], $0x400  }
0x5f: {  	p3 =	sne.s32 s24, s26;
	[sflag:s31] =	ssyncset.done @!p1 $0x0  }
0x60: {  	s30 =	sshll.u32 s25, $0x8;
	[sflag:s31] =	ssyncadd.s32 @!p1 $0xFFFFFC00  }
0x61: {  	[tilespmem:s22], [sflag:$0x1] =	stream.indirect.gather [spmem:s1], $0x80, s30, s21, $0xb8;
	[tilespmem:$0x1FCC0] =	vst v63  }
0x62: {  	_ =	swait.ge [sflag:s17], $0x2000  }
.Ltmp5:
0x63: {  	[sflag:s17] =	ssyncset.done $0x0;
	(pc) =	sbr.rel @p3 .LBB2_4-.Ltmp5, $4  }
0x64: {  	s25 =	sand.u32 $0x3, s29;
	s29 =	sor.u32 $0x80, s30;
	[sflag:s17] =	ssyncadd.s32 $0xFFFFE000  }
0x65: {  	[spmem:s2] =	stream.indirect.scatter.add.f32 [tilespmem:s22], [sflag:$0x1], $0x80, s29, s21, $0xb8;
	[tilespmem:$0x1FCC0] =	vst v63  }
0x66: {  	s28 =	sadd.s32 $0x100, s28;
	p1 =	sne.s32 s25, $0x0;
	_ =	swait.ge [sflag:s17], $0x2000  }
0x67: {  	s30 =	sshrl.u32 @!p1 s28, $0x3;
	s29 =	simm.s32 @!p1 $0x0;
	[sflag:s17] =	ssyncset.done $0x0  }
.LBB2_5:
0x68: {  	s24 =	sadd.s32 @!p1 s4, s30;
	s26 =	simm.s32 @!p1 $0x1;
	[sflag:s17] =	ssyncadd.s32 @p2 $0xFFFFE000  }
0x69: {  	[tilespmem:s29], [sflag:$0x1] =	stream.linear.gather @!p1 [hbm4b:s24+s29], $0x400, $0x38;
	[tilespmem:$0x1FCC0] =	vst v63  }
0x6a: {  	_ =	swait.ge @!p1 [sflag:s26], $0x400  }
0x6b: {  	[sflag:s26] =	ssyncset.done @!p1 $0x0  }
0x6c: {  	s31 =	sshll.u32 s25, $0x8;
	[sflag:s26] =	ssyncadd.s32 @!p1 $0xFFFFFC00  }
0x6d: {  	[tilespmem:s22], [sflag:$0x1] =	stream.indirect.gather [spmem:s1], $0x80, s31, s21, $0xb8;
	[tilespmem:$0x1FCC0] =	vst v63  }
0x6e: {  	_ =	swait.ge [sflag:s17], $0x2000  }
0x6f: {  	[sflag:s17] =	ssyncset.done $0x0  }
0x70: {  	s24 =	sor.u32 $0x80, s31;
	[sflag:s17] =	ssyncadd.s32 $0xFFFFE000  }
0x71: {  	[spmem:s2] =	stream.indirect.scatter.add.f32 [tilespmem:s22], [sflag:$0x1], $0x80, s24, s21, $0xb8;
	[tilespmem:$0x1FCC0] =	vst v63  }
0x72: {  	_ =	swait.ge [sflag:s17], $0x2000  }
0x73: {  	[sflag:s17] =	ssyncset.done $0x0  }
0x74: {  	[sflag:s17] =	ssyncadd.s32 $0xFFFFE000  }
.LBB2_6:
0x75: {  	s25 =	simm.s32 $0x0  }
0x76: {  	[tilespmem:s25], [sflag:$0x1] =	stream.linear.gather [hbm4b:s11+s25], $0x80, $0x38;
	[tilespmem:$0x1FCC0] =	vst v63  }
0x77: {  	_ =	swait.ge [sflag:s17], $0x80  }
0x78: {  	[sflag:s17] =	ssyncset.done $0x0  }
0x79: {  	[sflag:s17] =	ssyncadd.s32 $0xFFFFFF80  }
0x7a: {  	v0 =	vld [tilespmem:$0x0];
	_ =	sdelay $0x4  }
0x7b: {  	v0 =	vxor.u32 $0x80000000, v0  }
0x7c: {  	(xrf0) =	vmax.scan.msk.u32 $0xffff, v0;
	_ =	sdelay $0x5  }
0x7d: {  	v0, _, _ =	vpop (xrf0)  }
0x7e: {  	(v2sf) =	vpush v0, $0xF;
	_ =	sdelay $0xe  }
0x7f: {  	s24 =	spop (v2sf)  }
0x80: {  	s24 =	sxor.u32 $0x80000000, s24  }
0x81: {  	p1 =	slt.s32 s24, $0x1  }
.Ltmp6:
0x82: {  	_ = 	snop;
	(pc) =	sbr.rel @p1 .LBB2_11-.Ltmp6, $1  }
0x83: {  	_ =	sdelay $0x3  }
0x84: {  	p3 =	sne.s32 s24, $0x1  }
.Ltmp7:
0x85: {  	_ = 	snop;
	(pc) =	sbr.rel @!p3 .LBB2_10-.Ltmp7, $4  }
0x86: {  	_ = 	snop  }
0x87: {  	s25 =	sand.u32 $0x3, s25  }
0x88: {  	s26 =	simm.s32 $0x1;
	p1 =	sne.s32 s25, $0x0  }
0x89: {  	p2 =	por $0x0, $0x0;
	s30 =	sshrl.u32 @!p1 s15, $0x3;
	s29 =	simm.s32 @!p1 $0x0  }
0x8a: {  	s28 =	sadd.s32 @!p1 s4, s30;
	s30 =	simm.s32 @!p1 $0x1  }
0x8b: {  	[tilespmem:s29], [sflag:$0x1] =	stream.linear.gather @!p1 [hbm4b:s28+s29], $0x400, $0x38;
	[tilespmem:$0x1FCC0] =	vst v63  }
0x8c: {  	_ =	swait.ge @!p1 [sflag:s30], $0x400  }
0x8d: {  	[sflag:s30] =	ssyncset.done @!p1 $0x0  }
0x8e: {  	s28 =	sshll.u32 s25, $0x8;
	[sflag:s30] =	ssyncadd.s32 @!p1 $0xFFFFFC00  }
0x8f: {  	[tilespmem:s22], [sflag:$0x1] =	stream.indirect.gather [spmem:s1], $0x80, s28, s21, $0xb8;
	[tilespmem:$0x1FCC0] =	vst v63  }
0x90: {  	p3 =	sne.s32 s24, $0x2;
	p2 =	por $0x1, $0x1;
	_ =	swait.ge [sflag:s17], $0x2000  }
.Ltmp8:
0x91: {  	s25 =	sand.u32 $0x3, s26;
	[sflag:s17] =	ssyncset.done $0x0;
	(pc) =	sbr.rel @!p3 .LBB2_10-.Ltmp8, $4  }
0x92: {  	s26 =	simm.s32 $0x2;
	s31 =	sor.u32 $0x80, s28;
	[sflag:s17] =	ssyncadd.s32 $0xFFFFE000  }
0x93: {  	[spmem:s2] =	stream.indirect.scatter.add.f32 [tilespmem:s22], [sflag:$0x1], $0x80, s31, s21, $0xb8;
	[tilespmem:$0x1FCC0] =	vst v63  }
0x94: {  	p1 =	sne.s32 s25, $0x0;
	s28 =	sadd.s32 $0x100, s15;
	_ =	swait.ge [sflag:s17], $0x2000  }
0x95: {  	s29 =	simm.s32 @!p1 $0x0;
	s30 =	sshrl.u32 @!p1 s28, $0x3;
	[sflag:s17] =	ssyncset.done $0x0  }
.LBB2_9:
0x96: {  	s30 =	sadd.s32 @!p1 s4, s30;
	s31 =	simm.s32 @!p1 $0x1;
	[sflag:s17] =	ssyncadd.s32 $0xFFFFE000  }
0x97: {  	[tilespmem:s29], [sflag:$0x1] =	stream.linear.gather @!p1 [hbm4b:s30+s29], $0x400, $0x38;
	[tilespmem:$0x1FCC0] =	vst v63  }
0x98: {  	s29 =	smov.u32 s26;
	s26 =	sadd.s32 $0x1, s26;
	_ =	swait.ge @!p1 [sflag:s31], $0x400  }
0x99: {  	p3 =	sne.s32 s24, s26;
	[sflag:s31] =	ssyncset.done @!p1 $0x0  }
0x9a: {  	s30 =	sshll.u32 s25, $0x8;
	[sflag:s31] =	ssyncadd.s32 @!p1 $0xFFFFFC00  }
0x9b: {  	[tilespmem:s22], [sflag:$0x1] =	stream.indirect.gather [spmem:s1], $0x80, s30, s21, $0xb8;
	[tilespmem:$0x1FCC0] =	vst v63  }
0x9c: {  	_ =	swait.ge [sflag:s17], $0x2000  }
.Ltmp9:
0x9d: {  	[sflag:s17] =	ssyncset.done $0x0;
	(pc) =	sbr.rel @p3 .LBB2_9-.Ltmp9, $4  }
0x9e: {  	s25 =	sand.u32 $0x3, s29;
	s29 =	sor.u32 $0x80, s30;
	[sflag:s17] =	ssyncadd.s32 $0xFFFFE000  }
0x9f: {  	[spmem:s2] =	stream.indirect.scatter.add.f32 [tilespmem:s22], [sflag:$0x1], $0x80, s29, s21, $0xb8;
	[tilespmem:$0x1FCC0] =	vst v63  }
0xa0: {  	s28 =	sadd.s32 $0x100, s28;
	p1 =	sne.s32 s25, $0x0;
	_ =	swait.ge [sflag:s17], $0x2000  }
0xa1: {  	s30 =	sshrl.u32 @!p1 s28, $0x3;
	s29 =	simm.s32 @!p1 $0x0;
	[sflag:s17] =	ssyncset.done $0x0  }
.Ltmp10:
0xa2: {  	_ = 	snop;
	(pc) =	sbr.rel .LBB2_10-.Ltmp10, $1  }
0xa3: {  	_ =	sdelay $0x3  }
.LBB2_12:
0xa4: {  	_ =	sfence.sel $0x180000  }
0xa5: {  	[bflag:$0x0] =	sbarrier.arrive $0xFFFF  }
0xa6: {  	_ =	strace $0x9000004A  }
0xa7: {  	s0 =	sadd.s32 @!p0 $0x100000, s0;
	[bflag:$0x2] =	sbarrier.arrive $0xFFFF  }
0xa8: {  	[sflag:s0] =	ssyncadd.tile.s32 @!p0 $0x1;
	_ =	shalt  }
.Lfunc_end2:
_tile_overlayer_lowered:
.L_overlay_start_2:
0xa9: {  	(tag) =	ssettag $0x2  }
0xaa: {  	s0 =	rddreg [dreg:$0x0];
	s2 =	stileid.u32  }
0xab: {  	s1 =	rddreg [dreg:$0x1];
	p0 =	sne.s32 s2, $0x0  }
0xac: {  	s3 =	rddreg [dreg:$0x2];
	[bflag:$0x3] =	sbarrier.arrive $0xFFFF;
	s2 =	simm.s32 @!p0 $0x1C01  }
0xad: {  	[timem:s3], [sflag:s2] =	dma.local @!p0 [hbm:s0], s1  }
0xae: {  	s0 =	simm.s32 @!p0 $0x1  }
0xaf: {  	_ =	swait.ge @!p0 [sflag:s0], s1  }
0xb0: {  	s1 =	ssub.s32 @!p0 $0x0, s1;
	[sflag:s0] =	ssyncset.done @!p0 $0x0  }
0xb1: {  	[sflag:s0] =	ssyncadd.s32 @!p0 s1  }
0xb2: {  	[bflag:$0x3] =	sbarrier.arrive $0xFFFF  }
0xb3: {  	_ =	shalt  }

</sc_bundles>
